<compile_context>
chip_gen: v7x
topology: tpu7x:2x2x1
jax: 0.10.2.dev20260603
libtpu: 0.0.44.dev20260713+nightly
codegen_flags: <defaults>
</compile_context>

<pallas_src>
import functools

import jax
import jax.numpy as jnp
from jax import lax
from jax.experimental import pallas as pl
from jax.experimental.pallas import tpu as pltpu
from jax.experimental.pallas import tpu_sc as plsc

N = 10000
E = 320000
D_IN = 128
HID = 64
HEADS = 8
DH = 8
OUT = 3

ROW = 80
CH = 80
NTILES = 32
EPT = E // NTILES
NCHUNK = EPT // CH
ROWS_PER_TILE = 624
ROWS_REM = N - 16 * ROWS_PER_TILE

BN = 400
GRID = N // BN



_sc_mesh = plsc.VectorSubcoreMesh(core_axis_name="c", subcore_axis_name="s")


@functools.partial(
    pl.kernel,
    out_type=jax.ShapeDtypeStruct((2, N, ROW), jnp.float32),
    mesh=_sc_mesh,
    compiler_params=pltpu.CompilerParams(needs_layout_passes=False,
                                         use_tc_tiling_on_sc=False),
    scratch_types=[
        pltpu.VMEM((CH,), jnp.int32),
        pltpu.VMEM((CH,), jnp.int32),
        pltpu.VMEM((CH, ROW), jnp.float32),
        pltpu.VMEM((CH, 8), jnp.float32),
        pltpu.VMEM((CH, ROW), jnp.float32),
        pltpu.VMEM((16,), jnp.float32),
        pltpu.VMEM_SHARED((N, ROW), jnp.float32),
        pltpu.SemaphoreType.DMA,
        pltpu.SemaphoreType.DMA,
    ],
)
def _sc_edge(src_hbm, dst_hbm, stab_hbm, ald_hbm, zeros_hbm, out_hbm,
             sidx, didx, rows, aldr, msg, exb, acc, sem_g, sem_a):
    cid = lax.axis_index("c")
    sid = lax.axis_index("s")
    wid = sid * 2 + cid

    zbase = sid * ROWS_PER_TILE
    pltpu.sync_copy(zeros_hbm.at[pl.ds(zbase, ROWS_PER_TILE)],
                    acc.at[pl.ds(zbase, ROWS_PER_TILE)])

    @pl.when(sid == 0)
    def _zero_rem():
        pltpu.sync_copy(zeros_hbm.at[pl.ds(16 * ROWS_PER_TILE, ROWS_REM)],
                        acc.at[pl.ds(16 * ROWS_PER_TILE, ROWS_REM)])

    zv = jnp.zeros((16,), jnp.float32)

    def _zpad(i, carry):
        msg[i, pl.ds(64, 16)] = zv
        return carry

    lax.fori_loop(0, CH, _zpad, 0)
    plsc.subcore_barrier()

    lane = lax.iota(jnp.int32, 16)
    col8 = lane & 7
    half = lane >> 3

    ebase = wid * EPT

    def _chunk(c, carry):
        off = ebase + c * CH
        pltpu.sync_copy(src_hbm.at[pl.ds(off, CH)], sidx)
        pltpu.sync_copy(dst_hbm.at[pl.ds(off, CH)], didx)
        ga = pltpu.async_copy(stab_hbm.at[sidx], rows, sem_g)
        gb = pltpu.async_copy(ald_hbm.at[didx], aldr, sem_a)
        ga.wait()
        gb.wait()

        def _pair(p, inner):
            e = 2 * p
            rvec = e + half
            als2 = plsc.load_gather(rows, [rvec, col8])
            ald2 = plsc.load_gather(aldr, [rvec, col8])
            a = als2 + ald2
            a = jnp.maximum(a, 0.2 * a)
            ex2 = jnp.exp(a)
            exb[...] = ex2
            plsc.store_scatter(msg, [rvec, col8], ex2)
            for k in range(4):
                i0 = half + 2 * k
                i1 = i0 + 8
                c0 = plsc.load_gather(exb, [i0])
                c1 = plsc.load_gather(exb, [i1])
                h0 = rows[e, pl.ds(8 + 16 * k, 16)]
                h1 = rows[e + 1, pl.ds(8 + 16 * k, 16)]
                msg[e, pl.ds(8 + 16 * k, 16)] = h0 * c0
                msg[e + 1, pl.ds(8 + 16 * k, 16)] = h1 * c1
            return inner

        lax.fori_loop(0, CH // 2, _pair, 0)
        pltpu.sync_copy(msg, acc.at[didx], add=True)
        return carry

    lax.fori_loop(0, NCHUNK, _chunk, 0)
    plsc.subcore_barrier()
    pltpu.sync_copy(acc.at[pl.ds(zbase, ROWS_PER_TILE)],
                    out_hbm.at[cid, pl.ds(zbase, ROWS_PER_TILE)])

    @pl.when(sid == 0)
    def _out_rem():
        pltpu.sync_copy(acc.at[pl.ds(16 * ROWS_PER_TILE, ROWS_REM)],
                        out_hbm.at[cid, pl.ds(16 * ROWS_PER_TILE, ROWS_REM)])



def _tc_pre_body(x_ref, wp_ref, bp_ref, wa_ref, ba_ref, stab_ref, ald_ref):
    xb = x_ref[...]
    stab_ref[...] = (
        jnp.dot(xb, wp_ref[...], preferred_element_type=jnp.float32)
        + bp_ref[...])
    ald_ref[...] = (
        jnp.dot(xb, wa_ref[...], preferred_element_type=jnp.float32)
        + ba_ref[...])


def _tc_pre(x, wp, bp, wa, ba):
    d = x.shape[1]
    return pl.pallas_call(
        _tc_pre_body,
        grid=(GRID,),
        in_specs=[
            pl.BlockSpec((BN, d), lambda i: (i, 0)),
            pl.BlockSpec((d, ROW), lambda i: (0, 0)),
            pl.BlockSpec((1, ROW), lambda i: (0, 0)),
            pl.BlockSpec((d, 8), lambda i: (0, 0)),
            pl.BlockSpec((1, 8), lambda i: (0, 0)),
        ],
        out_specs=[
            pl.BlockSpec((BN, ROW), lambda i: (i, 0)),
            pl.BlockSpec((BN, 8), lambda i: (i, 0)),
        ],
        out_shape=[
            jax.ShapeDtypeStruct((N, ROW), jnp.float32),
            jax.ShapeDtypeStruct((N, 8), jnp.float32),
        ],
    )(x, wp, bp, wa, ba)


def _combine(a0, a1, sd64_ref, snum_ref, g_ref, be_ref):
    t = a0 + a1
    d64 = jnp.dot(t, sd64_ref[...], preferred_element_type=jnp.float32)
    num = jnp.dot(t, snum_ref[...], preferred_element_type=jnp.float32)
    r = jnp.maximum(num / (d64 + 1e-16), 0.0)
    mu = jnp.mean(r, axis=1, keepdims=True)
    var = jnp.mean((r - mu) ** 2, axis=1, keepdims=True)
    return (r - mu) * lax.rsqrt(var + 1e-5) * g_ref[...] + be_ref[...]


def _tc_mid_body(a0_ref, a1_ref, sd64_ref, snum_ref, g_ref, be_ref,
                 wp_ref, bp_ref, wa_ref, ba_ref, stab_ref, ald_ref):
    y = _combine(a0_ref[...], a1_ref[...], sd64_ref, snum_ref, g_ref, be_ref)
    stab_ref[...] = (
        jnp.dot(y, wp_ref[...], preferred_element_type=jnp.float32)
        + bp_ref[...])
    ald_ref[...] = (
        jnp.dot(y, wa_ref[...], preferred_element_type=jnp.float32)
        + ba_ref[...])


def _tc_mid(a0, a1, sd64, snum, g, be, wp, bp, wa, ba):
    return pl.pallas_call(
        _tc_mid_body,
        grid=(GRID,),
        in_specs=[
            pl.BlockSpec((BN, ROW), lambda i: (i, 0)),
            pl.BlockSpec((BN, ROW), lambda i: (i, 0)),
            pl.BlockSpec((ROW, HID), lambda i: (0, 0)),
            pl.BlockSpec((ROW, HID), lambda i: (0, 0)),
            pl.BlockSpec((1, HID), lambda i: (0, 0)),
            pl.BlockSpec((1, HID), lambda i: (0, 0)),
            pl.BlockSpec((HID, ROW), lambda i: (0, 0)),
            pl.BlockSpec((1, ROW), lambda i: (0, 0)),
            pl.BlockSpec((HID, 8), lambda i: (0, 0)),
            pl.BlockSpec((1, 8), lambda i: (0, 0)),
        ],
        out_specs=[
            pl.BlockSpec((BN, ROW), lambda i: (i, 0)),
            pl.BlockSpec((BN, 8), lambda i: (i, 0)),
        ],
        out_shape=[
            jax.ShapeDtypeStruct((N, ROW), jnp.float32),
            jax.ShapeDtypeStruct((N, 8), jnp.float32),
        ],
    )(a0, a1, sd64, snum, g, be, wp, bp, wa, ba)


def _tc_fin_body(a0_ref, a1_ref, sd64_ref, snum_ref, g_ref, be_ref,
                 wl_ref, bl_ref, out_ref):
    y = _combine(a0_ref[...], a1_ref[...], sd64_ref, snum_ref, g_ref, be_ref)
    logits = (jnp.dot(y, wl_ref[...], preferred_element_type=jnp.float32)
              + bl_ref[...])
    z = logits - jnp.max(logits, axis=1, keepdims=True)
    ez = jnp.exp(z)
    out_ref[...] = ez / jnp.sum(ez, axis=1, keepdims=True)


def _tc_fin(a0, a1, sd64, snum, g, be, wl, bl):
    return pl.pallas_call(
        _tc_fin_body,
        grid=(GRID,),
        in_specs=[
            pl.BlockSpec((BN, ROW), lambda i: (i, 0)),
            pl.BlockSpec((BN, ROW), lambda i: (i, 0)),
            pl.BlockSpec((ROW, HID), lambda i: (0, 0)),
            pl.BlockSpec((ROW, HID), lambda i: (0, 0)),
            pl.BlockSpec((1, HID), lambda i: (0, 0)),
            pl.BlockSpec((1, HID), lambda i: (0, 0)),
            pl.BlockSpec((HID, OUT), lambda i: (0, 0)),
            pl.BlockSpec((1, OUT), lambda i: (0, 0)),
        ],
        out_specs=pl.BlockSpec((BN, OUT), lambda i: (i, 0)),
        out_shape=jax.ShapeDtypeStruct((N, OUT), jnp.float32),
    )(a0, a1, sd64, snum, g, be, wl, bl)



def _head_mat(a):
    eye = jnp.eye(HEADS, dtype=jnp.float32)
    return (a[:, :, None] * eye[:, None, :]).reshape(HID, HEADS)


def _pack(w, b, a_s, a_d):
    asm = _head_mat(a_s)
    adm = _head_mat(a_d)
    d = w.shape[0]
    wp = jnp.concatenate(
        [w @ asm, w, jnp.zeros((d, ROW - HEADS - HID), jnp.float32)], axis=1)
    bp = jnp.concatenate(
        [b @ asm, b, jnp.zeros((ROW - HEADS - HID,), jnp.float32)])
    return wp, bp[None, :], w @ adm, (b @ adm)[None, :]


def kernel(x, edge_index, W1, b1, as1, ad1, g1, be1, W2, b2, as2, ad2,
           g2, be2, W3, b3, as3, ad3, g3, be3, Wl, bl):
    src = edge_index[0]
    dst = edge_index[1]
    zeros = jnp.zeros((N, ROW), jnp.float32)

    snum = jnp.eye(ROW, HID, k=-HEADS, dtype=jnp.float32)
    rep = jnp.kron(jnp.eye(HEADS, dtype=jnp.float32),
                   jnp.ones((1, DH), jnp.float32))
    sd64 = jnp.eye(ROW, HEADS, dtype=jnp.float32) @ rep

    wp1, bp1, wa1, ba1 = _pack(W1, b1, as1, ad1)
    wp2, bp2, wa2, ba2 = _pack(W2, b2, as2, ad2)
    wp3, bp3, wa3, ba3 = _pack(W3, b3, as3, ad3)

    stab, ald = _tc_pre(x, wp1, bp1, wa1, ba1)
    acc = _sc_edge(src, dst, stab, ald, zeros)
    stab, ald = _tc_mid(acc[0], acc[1], sd64, snum, g1[None, :], be1[None, :],
                        wp2, bp2, wa2, ba2)
    acc = _sc_edge(src, dst, stab, ald, zeros)
    stab, ald = _tc_mid(acc[0], acc[1], sd64, snum, g2[None, :], be2[None, :],
                        wp3, bp3, wa3, ba3)
    acc = _sc_edge(src, dst, stab, ald, zeros)
    return _tc_fin(acc[0], acc[1], sd64, snum, g3[None, :], be3[None, :],
                   Wl, bl[None, :])

# --- scband reference (transcript-rebuilt; emitter-appended) ---
"""Pipeline reference for scband-hetero-gat-47261820125232 (READ-ONLY COPY).

The authoritative reference and input builder live on the scoring server;
editing this copy changes nothing except your own understanding.
"""

import jax, jax.numpy as jnp
import numpy as np

N = 10000
E = 320000
D_IN = 128
HID = 64
HEADS = 8
DH = HID // HEADS
OUT = 3


def _ln(x, g, b):
    mu = jnp.mean(x, axis=-1, keepdims=True)
    var = jnp.mean((x - mu) ** 2, axis=-1, keepdims=True)
    return (x - mu) / jnp.sqrt(var + 1e-5) * g + b


def _han(x, src, dst, W, b, a_s, a_d):
    n = x.shape[0]
    h = (x @ W + b).reshape(n, HEADS, DH)
    al_s = jnp.sum(h * a_s[None], axis=-1)
    al_d = jnp.sum(h * a_d[None], axis=-1)
    alpha = al_s[src] + al_d[dst]
    alpha = jax.nn.leaky_relu(alpha, 0.2)
    amax = jax.ops.segment_max(alpha, dst, num_segments=n)
    amax = jnp.where(jnp.isfinite(amax), amax, 0.0)
    ex = jnp.exp(alpha - amax[dst])
    denom = jax.ops.segment_sum(ex, dst, num_segments=n)
    coef = ex / (denom[dst] + 1e-16)
    msg = h[src] * coef[..., None]
    out = jax.ops.segment_sum(msg, dst, num_segments=n).reshape(n, HID)
    return jax.nn.relu(out)


def setup_inputs(seed: int = 0):
    key = jax.random.key(seed)
    ks = jax.random.split(key, 16)
    s_in = 1.0 / np.sqrt(D_IN)
    s_h = 1.0 / np.sqrt(HID)
    inp = {}
    inp['x'] = jax.random.normal(ks[0], (N, D_IN), dtype=jnp.float32)
    inp['edge_index'] = jax.random.randint(ks[1], (2, E), 0, N, dtype=jnp.int32)
    inp['W1'] = jax.random.normal(ks[2], (D_IN, HID), dtype=jnp.float32) * s_in
    inp['b1'] = jnp.zeros((HID,), jnp.float32)
    inp['as1'] = jax.random.normal(ks[3], (HEADS, DH), dtype=jnp.float32) * s_h
    inp['ad1'] = jax.random.normal(ks[4], (HEADS, DH), dtype=jnp.float32) * s_h
    inp['g1'] = jnp.ones((HID,), jnp.float32)
    inp['be1'] = jnp.zeros((HID,), jnp.float32)
    inp['W2'] = jax.random.normal(ks[5], (HID, HID), dtype=jnp.float32) * s_h
    inp['b2'] = jnp.zeros((HID,), jnp.float32)
    inp['as2'] = jax.random.normal(ks[6], (HEADS, DH), dtype=jnp.float32) * s_h
    inp['ad2'] = jax.random.normal(ks[7], (HEADS, DH), dtype=jnp.float32) * s_h
    inp['g2'] = jnp.ones((HID,), jnp.float32)
    inp['be2'] = jnp.zeros((HID,), jnp.float32)
    inp['W3'] = jax.random.normal(ks[8], (HID, HID), dtype=jnp.float32) * s_h
    inp['b3'] = jnp.zeros((HID,), jnp.float32)
    inp['as3'] = jax.random.normal(ks[9], (HEADS, DH), dtype=jnp.float32) * s_h
    inp['ad3'] = jax.random.normal(ks[10], (HEADS, DH), dtype=jnp.float32) * s_h
    inp['g3'] = jnp.ones((HID,), jnp.float32)
    inp['be3'] = jnp.zeros((HID,), jnp.float32)
    inp['Wl'] = jax.random.normal(ks[11], (HID, OUT), dtype=jnp.float32) * s_h
    inp['bl'] = jnp.zeros((OUT,), jnp.float32)
    return inp


def reference(x, edge_index, W1, b1, as1, ad1, g1, be1, W2, b2, as2, ad2, g2, be2, W3, b3, as3, ad3, g3, be3, Wl, bl):
    src, dst = edge_index[0], edge_index[1]
    h = _han(x, src, dst, W1, b1, as1, ad1)
    h = _ln(h, g1, be1)
    h = _han(h, src, dst, W2, b2, as2, ad2)
    h = _ln(h, g2, be2)
    h = _han(h, src, dst, W3, b3, as3, ad3)
    h = _ln(h, g3, be3)
    logits = h @ Wl + bl
    return jax.nn.softmax(logits, axis=-1)

if __name__ == "__main__":
    import jax
    _d = setup_inputs()
    print(jax.jit(kernel)(*tuple(_d.values())))

</pallas_src>

<mosaic_0001>
#map = affine_map<(d0, d1) -> (0)>
#map1 = affine_map<(d0, d1) -> (0, 0)>
#map2 = affine_map<(d0, d1) -> (0, 0, 0)>
module attributes {stable_mosaic.version = 14 : i64} {
  func.func @_sc_edge(%arg0: i32, %arg1: i32, %arg2: memref<320000xi32, #tpu.memory_space<hbm>>, %arg3: memref<320000xi32, #tpu.memory_space<hbm>>, %arg4: memref<10000x80xf32, #tpu.memory_space<hbm>>, %arg5: memref<10000x8xf32, #tpu.memory_space<hbm>>, %arg6: memref<10000x80xf32, #tpu.memory_space<hbm>>, %arg7: memref<2x10000x80xf32, #tpu.memory_space<hbm>>, %arg8: memref<80xi32, #tpu.memory_space<vmem>>, %arg9: memref<80xi32, #tpu.memory_space<vmem>>, %arg10: memref<80x80xf32, #tpu.memory_space<vmem>>, %arg11: memref<80x8xf32, #tpu.memory_space<vmem>>, %arg12: memref<80x80xf32, #tpu.memory_space<vmem>>, %arg13: memref<16xf32, #tpu.memory_space<vmem>>, %arg14: memref<10000x80xf32, #tpu.memory_space<vmem_shared>>, %arg15: memref<!tpu.dma_semaphore, #tpu.memory_space<semaphore_mem>>, %arg16: memref<!tpu.dma_semaphore, #tpu.memory_space<semaphore_mem>>) attributes {dimension_semantics = [#tpu.dimension_semantics<core_parallel>, #tpu.dimension_semantics<subcore_parallel>], iteration_bounds = array<i64: 2, 16>, scalar_prefetch = 0 : i64, scratch_operands = 9 : i64, tpu.core_type = #tpu.core_type<sc_vector_subcore>, window_params = [{transform_indices = #map}, {transform_indices = #map}, {transform_indices = #map1}, {transform_indices = #map1}, {transform_indices = #map1}, {transform_indices = #map2}]} {
    %mul3A = arith.constant 2 : i32
    %mul3A_0 = arith.muli %arg1, %mul3A : i32
    %add3A = arith.addi %mul3A_0, %arg0 : i32
    %mul3A_1 = arith.constant 624 : i32
    %mul3A_2 = arith.muli %arg1, %mul3A_1 : i32
    "tpu.region"() ({
      %run_scoped3A = tpu.sem_alloc : memref<!tpu.dma_semaphore, #tpu.memory_space<semaphore_mem>>
      %dma_start3A = arith.constant 0 : i32
      %dma_start3A_29 = tpu.memref_slice %arg14[%mul3A_2, %dma_start3A] : memref<10000x80xf32, #tpu.memory_space<vmem_shared>> -> memref<624x80xf32, #tpu.memory_space<vmem_shared>>
      %dma_start3A_30 = arith.constant 0 : i32
      %dma_start3A_31 = tpu.memref_slice %arg6[%mul3A_2, %dma_start3A_30] : memref<10000x80xf32, #tpu.memory_space<hbm>> -> memref<624x80xf32, #tpu.memory_space<hbm>>
      tpu.enqueue_dma source(%dma_start3A_31 : memref<624x80xf32, #tpu.memory_space<hbm>>) target(%dma_start3A_29 : memref<624x80xf32, #tpu.memory_space<vmem_shared>>) target_semaphore(%run_scoped3A : memref<!tpu.dma_semaphore, #tpu.memory_space<semaphore_mem>>)
      %dma_wait3A = arith.constant 0 : i32
      %dma_wait3A_32 = tpu.memref_slice %arg14[%mul3A_2, %dma_wait3A] : memref<10000x80xf32, #tpu.memory_space<vmem_shared>> -> memref<624x80xf32, #tpu.memory_space<vmem_shared>>
      %dma_wait3A_33 = arith.constant 0 : i32
      %dma_wait3A_34 = tpu.memref_slice %arg6[%mul3A_2, %dma_wait3A_33] : memref<10000x80xf32, #tpu.memory_space<hbm>> -> memref<624x80xf32, #tpu.memory_space<hbm>>
      tpu.wait_dma2 semaphore(%run_scoped3A : memref<!tpu.dma_semaphore, #tpu.memory_space<semaphore_mem>>) src(%dma_wait3A_34 : memref<624x80xf32, #tpu.memory_space<hbm>>) dst(%dma_wait3A_32 : memref<624x80xf32, #tpu.memory_space<vmem_shared>>)
      tpu.yield
    }) : () -> ()
    %eq3A = arith.constant 0 : i32
    %eq3A_3 = arith.cmpi eq, %arg1, %eq3A : i32
    %convert_element_type3A = arith.extui %eq3A_3 : i1 to i32
    %cond3A = arith.constant 0 : i32
    %cond3A_4 = arith.cmpi ne, %convert_element_type3A, %cond3A : i32
    scf.if %cond3A_4 {
      "tpu.region"() ({
        %run_scoped3A = tpu.sem_alloc : memref<!tpu.dma_semaphore, #tpu.memory_space<semaphore_mem>>
        %dma_start3A = arith.constant 9984 : i32
        %dma_start3A_29 = arith.constant 0 : i32
        %dma_start3A_30 = tpu.memref_slice %arg14[%dma_start3A, %dma_start3A_29] : memref<10000x80xf32, #tpu.memory_space<vmem_shared>> -> memref<16x80xf32, #tpu.memory_space<vmem_shared>>
        %dma_start3A_31 = arith.constant 9984 : i32
        %dma_start3A_32 = arith.constant 0 : i32
        %dma_start3A_33 = tpu.memref_slice %arg6[%dma_start3A_31, %dma_start3A_32] : memref<10000x80xf32, #tpu.memory_space<hbm>> -> memref<16x80xf32, #tpu.memory_space<hbm>>
        tpu.enqueue_dma source(%dma_start3A_33 : memref<16x80xf32, #tpu.memory_space<hbm>>) target(%dma_start3A_30 : memref<16x80xf32, #tpu.memory_space<vmem_shared>>) target_semaphore(%run_scoped3A : memref<!tpu.dma_semaphore, #tpu.memory_space<semaphore_mem>>)
        %dma_wait3A = arith.constant 9984 : i32
        %dma_wait3A_34 = arith.constant 0 : i32
        %dma_wait3A_35 = tpu.memref_slice %arg14[%dma_wait3A, %dma_wait3A_34] : memref<10000x80xf32, #tpu.memory_space<vmem_shared>> -> memref<16x80xf32, #tpu.memory_space<vmem_shared>>
        %dma_wait3A_36 = arith.constant 9984 : i32
        %dma_wait3A_37 = arith.constant 0 : i32
        %dma_wait3A_38 = tpu.memref_slice %arg6[%dma_wait3A_36, %dma_wait3A_37] : memref<10000x80xf32, #tpu.memory_space<hbm>> -> memref<16x80xf32, #tpu.memory_space<hbm>>
        tpu.wait_dma2 semaphore(%run_scoped3A : memref<!tpu.dma_semaphore, #tpu.memory_space<semaphore_mem>>) src(%dma_wait3A_38 : memref<16x80xf32, #tpu.memory_space<hbm>>) dst(%dma_wait3A_35 : memref<16x80xf32, #tpu.memory_space<vmem_shared>>)
        tpu.yield
      }) : () -> ()
    } else {
    }
    %broadcast_in_dim3A = arith.constant 0.000000e+00 : f32
    %broadcast_in_dim3A_5 = vector.broadcast %broadcast_in_dim3A : f32 to vector<16xf32>
    %scan3A = arith.constant 0 : i32
    %scan3A_6 = arith.constant 0 : i32
    %scan3A_7 = arith.constant 80 : i32
    %scan3A_8 = arith.addi %scan3A_6, %scan3A_7 : i32
    %scan3A_9 = arith.constant 1 : i32
    scf.for %scan3A_29 = %scan3A_6 to %scan3A_8 step %scan3A_9  : i32 {
      %swap3A = arith.index_cast %scan3A_29 : i32 to index
      %swap3A_30 = arith.constant 64 : index
      %swap3A_31 = tpu.vector_load %arg12[%swap3A, %swap3A_30] {strides = array<i32>} : memref<80x80xf32, #tpu.memory_space<vmem>>, vector<16xf32>,
      tpu.vector_store %arg12[%swap3A, %swap3A_30], %broadcast_in_dim3A_5 {strides = array<i32>} : memref<80x80xf32, #tpu.memory_space<vmem>>, vector<16xf32>,
    }
    %scan3A_10 = arith.constant 80 : i32
    %barrier3A = arith.constant 0 : index
    tpu.barrier barrier_id(%barrier3A)
    %iota3A = tpu.iota {dimensions = array<i32: 0>} : vector<16xi32>
    %and3A = arith.constant 7 : i32
    %and3A_11 = vector.broadcast %and3A : i32 to vector<16xi32>
    %and3A_12 = arith.andi %iota3A, %and3A_11 : vector<16xi32>
    %shift_right_arithmetic3A = arith.constant 3 : i32
    %shift_right_arithmetic3A_13 = vector.broadcast %shift_right_arithmetic3A : i32 to vector<16xi32>
    %shift_right_arithmetic3A_14 = arith.shrsi %iota3A, %shift_right_arithmetic3A_13 : vector<16xi32>
    %mul3A_15 = arith.constant 10000 : i32
    %mul3A_16 = arith.muli %add3A, %mul3A_15 : i32
    %scan3A_17 = arith.constant 0 : i32
    %scan3A_18 = arith.constant 0 : i32
    %scan3A_19 = arith.constant 125 : i32
    %scan3A_20 = arith.addi %scan3A_18, %scan3A_19 : i32
    %scan3A_21 = arith.constant 1 : i32
    scf.for %scan3A_29 = %scan3A_18 to %scan3A_20 step %scan3A_21  : i32 {
      %mul3A_30 = arith.constant 80 : i32
      %mul3A_31 = arith.muli %scan3A_29, %mul3A_30 : i32
      %add3A_32 = arith.addi %mul3A_16, %mul3A_31 : i32
      "tpu.region"() ({
        %run_scoped3A = tpu.sem_alloc : memref<!tpu.dma_semaphore, #tpu.memory_space<semaphore_mem>>
        %dma_start3A_49 = tpu.memref_slice %arg2[%add3A_32] : memref<320000xi32, #tpu.memory_space<hbm>> -> memref<80xi32, #tpu.memory_space<hbm>>
        %dma_start3A_50 = tpu.memref_slice %arg2[%add3A_32] : memref<320000xi32, #tpu.memory_space<hbm>> -> memref<80xi32, #tpu.memory_space<hbm>>
        tpu.enqueue_dma source(%dma_start3A_50 : memref<80xi32, #tpu.memory_space<hbm>>) target(%arg8 : memref<80xi32, #tpu.memory_space<vmem>>) target_semaphore(%run_scoped3A : memref<!tpu.dma_semaphore, #tpu.memory_space<semaphore_mem>>)
        %dma_wait3A_51 = tpu.memref_slice %arg2[%add3A_32] : memref<320000xi32, #tpu.memory_space<hbm>> -> memref<80xi32, #tpu.memory_space<hbm>>
        %dma_wait3A_52 = tpu.memref_slice %arg2[%add3A_32] : memref<320000xi32, #tpu.memory_space<hbm>> -> memref<80xi32, #tpu.memory_space<hbm>>
        tpu.wait_dma2 semaphore(%run_scoped3A : memref<!tpu.dma_semaphore, #tpu.memory_space<semaphore_mem>>) src(%dma_wait3A_52 : memref<80xi32, #tpu.memory_space<hbm>>) dst(%arg8 : memref<80xi32, #tpu.memory_space<vmem>>)
        tpu.yield
      }) : () -> ()
      "tpu.region"() ({
        %run_scoped3A = tpu.sem_alloc : memref<!tpu.dma_semaphore, #tpu.memory_space<semaphore_mem>>
        %dma_start3A_49 = tpu.memref_slice %arg3[%add3A_32] : memref<320000xi32, #tpu.memory_space<hbm>> -> memref<80xi32, #tpu.memory_space<hbm>>
        %dma_start3A_50 = tpu.memref_slice %arg3[%add3A_32] : memref<320000xi32, #tpu.memory_space<hbm>> -> memref<80xi32, #tpu.memory_space<hbm>>
        tpu.enqueue_dma source(%dma_start3A_50 : memref<80xi32, #tpu.memory_space<hbm>>) target(%arg9 : memref<80xi32, #tpu.memory_space<vmem>>) target_semaphore(%run_scoped3A : memref<!tpu.dma_semaphore, #tpu.memory_space<semaphore_mem>>)
        %dma_wait3A_51 = tpu.memref_slice %arg3[%add3A_32] : memref<320000xi32, #tpu.memory_space<hbm>> -> memref<80xi32, #tpu.memory_space<hbm>>
        %dma_wait3A_52 = tpu.memref_slice %arg3[%add3A_32] : memref<320000xi32, #tpu.memory_space<hbm>> -> memref<80xi32, #tpu.memory_space<hbm>>
        tpu.wait_dma2 semaphore(%run_scoped3A : memref<!tpu.dma_semaphore, #tpu.memory_space<semaphore_mem>>) src(%dma_wait3A_52 : memref<80xi32, #tpu.memory_space<hbm>>) dst(%arg9 : memref<80xi32, #tpu.memory_space<vmem>>)
        tpu.yield
      }) : () -> ()
      %dma_start3A = arith.constant 0 : i32
      %dma_start3A_33 = arith.constant 0 : i32
      %dma_start3A_34 = tpu.memref_slice %arg4[%dma_start3A, %dma_start3A_33] : memref<10000x80xf32, #tpu.memory_space<hbm>> -> memref<10000x80xf32, #tpu.memory_space<hbm>>
      tpu.enqueue_indirect_dma source(%dma_start3A_34 : memref<10000x80xf32, #tpu.memory_space<hbm>>) target(%arg10 : memref<80x80xf32, #tpu.memory_space<vmem>>) offsets(%arg8 : memref<80xi32, #tpu.memory_space<vmem>>) semaphore(%arg15 : memref<!tpu.dma_semaphore, #tpu.memory_space<semaphore_mem>>)
      %dma_start3A_35 = arith.constant 0 : i32
      %dma_start3A_36 = arith.constant 0 : i32
      %dma_start3A_37 = tpu.memref_slice %arg5[%dma_start3A_35, %dma_start3A_36] : memref<10000x8xf32, #tpu.memory_space<hbm>> -> memref<10000x8xf32, #tpu.memory_space<hbm>>
      tpu.enqueue_indirect_dma source(%dma_start3A_37 : memref<10000x8xf32, #tpu.memory_space<hbm>>) target(%arg11 : memref<80x8xf32, #tpu.memory_space<vmem>>) offsets(%arg9 : memref<80xi32, #tpu.memory_space<vmem>>) semaphore(%arg16 : memref<!tpu.dma_semaphore, #tpu.memory_space<semaphore_mem>>)
      %dma_wait3A = arith.constant 0 : i32
      %dma_wait3A_38 = arith.constant 0 : i32
      %dma_wait3A_39 = tpu.memref_slice %arg4[%dma_wait3A, %dma_wait3A_38] : memref<10000x80xf32, #tpu.memory_space<hbm>> -> memref<10000x80xf32, #tpu.memory_space<hbm>>
      tpu.wait_indirect_dma semaphore(%arg15 : memref<!tpu.dma_semaphore, #tpu.memory_space<semaphore_mem>>) src(%dma_wait3A_39 : memref<10000x80xf32, #tpu.memory_space<hbm>>) dst(%arg10 : memref<80x80xf32, #tpu.memory_space<vmem>>)
      %dma_wait3A_40 = arith.constant 0 : i32
      %dma_wait3A_41 = arith.constant 0 : i32
      %dma_wait3A_42 = tpu.memref_slice %arg5[%dma_wait3A_40, %dma_wait3A_41] : memref<10000x8xf32, #tpu.memory_space<hbm>> -> memref<10000x8xf32, #tpu.memory_space<hbm>>
      tpu.wait_indirect_dma semaphore(%arg16 : memref<!tpu.dma_semaphore, #tpu.memory_space<semaphore_mem>>) src(%dma_wait3A_42 : memref<10000x8xf32, #tpu.memory_space<hbm>>) dst(%arg11 : memref<80x8xf32, #tpu.memory_space<vmem>>)
      %scan3A_43 = arith.constant 0 : i32
      %scan3A_44 = arith.constant 0 : i32
      %scan3A_45 = arith.constant 40 : i32
      %scan3A_46 = arith.addi %scan3A_44, %scan3A_45 : i32
      %scan3A_47 = arith.constant 1 : i32
      scf.for %scan3A_49 = %scan3A_44 to %scan3A_46 step %scan3A_47  : i32 {
        %mul3A_50 = arith.constant 2 : i32
        %mul3A_51 = arith.muli %mul3A_50, %scan3A_49 : i32
        %add3A_52 = vector.broadcast %mul3A_51 : i32 to vector<16xi32>
        %add3A_53 = arith.addi %add3A_52, %shift_right_arithmetic3A_14 : vector<16xi32>
        %gather3A = tpu.vector_load_idx %arg10[%add3A_53, %and3A_12] : memref<80x80xf32, #tpu.memory_space<vmem>>[vector<16xi32>, vector<16xi32>], vector<16xf32>,
        %gather3A_54 = tpu.vector_load_idx %arg11[%add3A_53, %and3A_12] : memref<80x8xf32, #tpu.memory_space<vmem>>[vector<16xi32>, vector<16xi32>], vector<16xf32>,
        %add3A_55 = arith.addf %gather3A, %gather3A_54 : vector<16xf32>
        %mul3A_56 = arith.constant 2.000000e-01 : f32
        %mul3A_57 = vector.broadcast %mul3A_56 : f32 to vector<16xf32>
        %mul3A_58 = arith.mulf %mul3A_57, %add3A_55 : vector<16xf32>
        %max3A = arith.maximumf %add3A_55, %mul3A_58 : vector<16xf32>
        %exp3A = math.exp %max3A : vector<16xf32>
        %swap3A = arith.constant 0 : index
        %swap3A_59 = tpu.vector_load %arg13[%swap3A] {strides = array<i32>} : memref<16xf32, #tpu.memory_space<vmem>>, vector<16xf32>,
        tpu.vector_store %arg13[%swap3A], %exp3A {strides = array<i32>} : memref<16xf32, #tpu.memory_space<vmem>>, vector<16xf32>,
        tpu.vector_store_idx %arg12[%add3A_53, %and3A_12], %exp3A : memref<80x80xf32, #tpu.memory_space<vmem>>[vector<16xi32>, vector<16xi32>], vector<16xf32>,
        %add3A_60 = arith.constant 0 : i32
        %add3A_61 = vector.broadcast %add3A_60 : i32 to vector<16xi32>
        %add3A_62 = arith.addi %shift_right_arithmetic3A_14, %add3A_61 : vector<16xi32>
        %add3A_63 = arith.constant 8 : i32
        %add3A_64 = vector.broadcast %add3A_63 : i32 to vector<16xi32>
        %add3A_65 = arith.addi %add3A_62, %add3A_64 : vector<16xi32>
        %gather3A_66 = tpu.vector_load_idx %arg13[%add3A_62] : memref<16xf32, #tpu.memory_space<vmem>>[vector<16xi32>], vector<16xf32>,
        %gather3A_67 = tpu.vector_load_idx %arg13[%add3A_65] : memref<16xf32, #tpu.memory_space<vmem>>[vector<16xi32>], vector<16xf32>,
        %get3A = arith.index_cast %mul3A_51 : i32 to index
        %get3A_68 = arith.constant 8 : index
        %get3A_69 = tpu.vector_load %arg10[%get3A, %get3A_68] {strides = array<i32>} : memref<80x80xf32, #tpu.memory_space<vmem>>, vector<16xf32>,
        %add3A_70 = arith.constant 1 : i32
        %add3A_71 = arith.addi %mul3A_51, %add3A_70 : i32
        %get3A_72 = arith.index_cast %add3A_71 : i32 to index
        %get3A_73 = arith.constant 8 : index
        %get3A_74 = tpu.vector_load %arg10[%get3A_72, %get3A_73] {strides = array<i32>} : memref<80x80xf32, #tpu.memory_space<vmem>>, vector<16xf32>,
        %mul3A_75 = arith.mulf %get3A_69, %gather3A_66 : vector<16xf32>
        %swap3A_76 = arith.index_cast %mul3A_51 : i32 to index
        %swap3A_77 = arith.constant 8 : index
        %swap3A_78 = tpu.vector_load %arg12[%swap3A_76, %swap3A_77] {strides = array<i32>} : memref<80x80xf32, #tpu.memory_space<vmem>>, vector<16xf32>,
        tpu.vector_store %arg12[%swap3A_76, %swap3A_77], %mul3A_75 {strides = array<i32>} : memref<80x80xf32, #tpu.memory_space<vmem>>, vector<16xf32>,
        %mul3A_79 = arith.mulf %get3A_74, %gather3A_67 : vector<16xf32>
        %add3A_80 = arith.constant 1 : i32
        %add3A_81 = arith.addi %mul3A_51, %add3A_80 : i32
        %swap3A_82 = arith.index_cast %add3A_81 : i32 to index
        %swap3A_83 = arith.constant 8 : index
        %swap3A_84 = tpu.vector_load %arg12[%swap3A_82, %swap3A_83] {strides = array<i32>} : memref<80x80xf32, #tpu.memory_space<vmem>>, vector<16xf32>,
        tpu.vector_store %arg12[%swap3A_82, %swap3A_83], %mul3A_79 {strides = array<i32>} : memref<80x80xf32, #tpu.memory_space<vmem>>, vector<16xf32>,
        %add3A_85 = arith.constant 2 : i32
        %add3A_86 = vector.broadcast %add3A_85 : i32 to vector<16xi32>
        %add3A_87 = arith.addi %shift_right_arithmetic3A_14, %add3A_86 : vector<16xi32>
        %add3A_88 = arith.constant 8 : i32
        %add3A_89 = vector.broadcast %add3A_88 : i32 to vector<16xi32>
        %add3A_90 = arith.addi %add3A_87, %add3A_89 : vector<16xi32>
        %gather3A_91 = tpu.vector_load_idx %arg13[%add3A_87] : memref<16xf32, #tpu.memory_space<vmem>>[vector<16xi32>], vector<16xf32>,
        %gather3A_92 = tpu.vector_load_idx %arg13[%add3A_90] : memref<16xf32, #tpu.memory_space<vmem>>[vector<16xi32>], vector<16xf32>,
        %get3A_93 = arith.index_cast %mul3A_51 : i32 to index
        %get3A_94 = arith.constant 24 : index
        %get3A_95 = tpu.vector_load %arg10[%get3A_93, %get3A_94] {strides = array<i32>} : memref<80x80xf32, #tpu.memory_space<vmem>>, vector<16xf32>,
        %add3A_96 = arith.constant 1 : i32
        %add3A_97 = arith.addi %mul3A_51, %add3A_96 : i32
        %get3A_98 = arith.index_cast %add3A_97 : i32 to index
        %get3A_99 = arith.constant 24 : index
        %get3A_100 = tpu.vector_load %arg10[%get3A_98, %get3A_99] {strides = array<i32>} : memref<80x80xf32, #tpu.memory_space<vmem>>, vector<16xf32>,
        %mul3A_101 = arith.mulf %get3A_95, %gather3A_91 : vector<16xf32>
        %swap3A_102 = arith.index_cast %mul3A_51 : i32 to index
        %swap3A_103 = arith.constant 24 : index
        %swap3A_104 = tpu.vector_load %arg12[%swap3A_102, %swap3A_103] {strides = array<i32>} : memref<80x80xf32, #tpu.memory_space<vmem>>, vector<16xf32>,
        tpu.vector_store %arg12[%swap3A_102, %swap3A_103], %mul3A_101 {strides = array<i32>} : memref<80x80xf32, #tpu.memory_space<vmem>>, vector<16xf32>,
        %mul3A_105 = arith.mulf %get3A_100, %gather3A_92 : vector<16xf32>
        %add3A_106 = arith.constant 1 : i32
        %add3A_107 = arith.addi %mul3A_51, %add3A_106 : i32
        %swap3A_108 = arith.index_cast %add3A_107 : i32 to index
        %swap3A_109 = arith.constant 24 : index
        %swap3A_110 = tpu.vector_load %arg12[%swap3A_108, %swap3A_109] {strides = array<i32>} : memref<80x80xf32, #tpu.memory_space<vmem>>, vector<16xf32>,
        tpu.vector_store %arg12[%swap3A_108, %swap3A_109], %mul3A_105 {strides = array<i32>} : memref<80x80xf32, #tpu.memory_space<vmem>>, vector<16xf32>,
        %add3A_111 = arith.constant 4 : i32
        %add3A_112 = vector.broadcast %add3A_111 : i32 to vector<16xi32>
        %add3A_113 = arith.addi %shift_right_arithmetic3A_14, %add3A_112 : vector<16xi32>
        %add3A_114 = arith.constant 8 : i32
        %add3A_115 = vector.broadcast %add3A_114 : i32 to vector<16xi32>
        %add3A_116 = arith.addi %add3A_113, %add3A_115 : vector<16xi32>
        %gather3A_117 = tpu.vector_load_idx %arg13[%add3A_113] : memref<16xf32, #tpu.memory_space<vmem>>[vector<16xi32>], vector<16xf32>,
        %gather3A_118 = tpu.vector_load_idx %arg13[%add3A_116] : memref<16xf32, #tpu.memory_space<vmem>>[vector<16xi32>], vector<16xf32>,
        %get3A_119 = arith.index_cast %mul3A_51 : i32 to index
        %get3A_120 = arith.constant 40 : index
        %get3A_121 = tpu.vector_load %arg10[%get3A_119, %get3A_120] {strides = array<i32>} : memref<80x80xf32, #tpu.memory_space<vmem>>, vector<16xf32>,
        %add3A_122 = arith.constant 1 : i32
        %add3A_123 = arith.addi %mul3A_51, %add3A_122 : i32
        %get3A_124 = arith.index_cast %add3A_123 : i32 to index
        %get3A_125 = arith.constant 40 : index
        %get3A_126 = tpu.vector_load %arg10[%get3A_124, %get3A_125] {strides = array<i32>} : memref<80x80xf32, #tpu.memory_space<vmem>>, vector<16xf32>,
        %mul3A_127 = arith.mulf %get3A_121, %gather3A_117 : vector<16xf32>
        %swap3A_128 = arith.index_cast %mul3A_51 : i32 to index
        %swap3A_129 = arith.constant 40 : index
        %swap3A_130 = tpu.vector_load %arg12[%swap3A_128, %swap3A_129] {strides = array<i32>} : memref<80x80xf32, #tpu.memory_space<vmem>>, vector<16xf32>,
        tpu.vector_store %arg12[%swap3A_128, %swap3A_129], %mul3A_127 {strides = array<i32>} : memref<80x80xf32, #tpu.memory_space<vmem>>, vector<16xf32>,
        %mul3A_131 = arith.mulf %get3A_126, %gather3A_118 : vector<16xf32>
        %add3A_132 = arith.constant 1 : i32
        %add3A_133 = arith.addi %mul3A_51, %add3A_132 : i32
        %swap3A_134 = arith.index_cast %add3A_133 : i32 to index
        %swap3A_135 = arith.constant 40 : index
        %swap3A_136 = tpu.vector_load %arg12[%swap3A_134, %swap3A_135] {strides = array<i32>} : memref<80x80xf32, #tpu.memory_space<vmem>>, vector<16xf32>,
        tpu.vector_store %arg12[%swap3A_134, %swap3A_135], %mul3A_131 {strides = array<i32>} : memref<80x80xf32, #tpu.memory_space<vmem>>, vector<16xf32>,
        %add3A_137 = arith.constant 6 : i32
        %add3A_138 = vector.broadcast %add3A_137 : i32 to vector<16xi32>
        %add3A_139 = arith.addi %shift_right_arithmetic3A_14, %add3A_138 : vector<16xi32>
        %add3A_140 = arith.constant 8 : i32
        %add3A_141 = vector.broadcast %add3A_140 : i32 to vector<16xi32>
        %add3A_142 = arith.addi %add3A_139, %add3A_141 : vector<16xi32>
        %gather3A_143 = tpu.vector_load_idx %arg13[%add3A_139] : memref<16xf32, #tpu.memory_space<vmem>>[vector<16xi32>], vector<16xf32>,
        %gather3A_144 = tpu.vector_load_idx %arg13[%add3A_142] : memref<16xf32, #tpu.memory_space<vmem>>[vector<16xi32>], vector<16xf32>,
        %get3A_145 = arith.index_cast %mul3A_51 : i32 to index
        %get3A_146 = arith.constant 56 : index
        %get3A_147 = tpu.vector_load %arg10[%get3A_145, %get3A_146] {strides = array<i32>} : memref<80x80xf32, #tpu.memory_space<vmem>>, vector<16xf32>,
        %add3A_148 = arith.constant 1 : i32
        %add3A_149 = arith.addi %mul3A_51, %add3A_148 : i32
        %get3A_150 = arith.index_cast %add3A_149 : i32 to index
        %get3A_151 = arith.constant 56 : index
        %get3A_152 = tpu.vector_load %arg10[%get3A_150, %get3A_151] {strides = array<i32>} : memref<80x80xf32, #tpu.memory_space<vmem>>, vector<16xf32>,
        %mul3A_153 = arith.mulf %get3A_147, %gather3A_143 : vector<16xf32>
        %swap3A_154 = arith.index_cast %mul3A_51 : i32 to index
        %swap3A_155 = arith.constant 56 : index
        %swap3A_156 = tpu.vector_load %arg12[%swap3A_154, %swap3A_155] {strides = array<i32>} : memref<80x80xf32, #tpu.memory_space<vmem>>, vector<16xf32>,
        tpu.vector_store %arg12[%swap3A_154, %swap3A_155], %mul3A_153 {strides = array<i32>} : memref<80x80xf32, #tpu.memory_space<vmem>>, vector<16xf32>,
        %mul3A_157 = arith.mulf %get3A_152, %gather3A_144 : vector<16xf32>
        %add3A_158 = arith.constant 1 : i32
        %add3A_159 = arith.addi %mul3A_51, %add3A_158 : i32
        %swap3A_160 = arith.index_cast %add3A_159 : i32 to index
        %swap3A_161 = arith.constant 56 : index
        %swap3A_162 = tpu.vector_load %arg12[%swap3A_160, %swap3A_161] {strides = array<i32>} : memref<80x80xf32, #tpu.memory_space<vmem>>, vector<16xf32>,
        tpu.vector_store %arg12[%swap3A_160, %swap3A_161], %mul3A_157 {strides = array<i32>} : memref<80x80xf32, #tpu.memory_space<vmem>>, vector<16xf32>,
      }
      %scan3A_48 = arith.constant 40 : i32
      "tpu.region"() ({
        %run_scoped3A = tpu.sem_alloc : memref<!tpu.dma_semaphore, #tpu.memory_space<semaphore_mem>>
        %dma_start3A_49 = arith.constant 0 : i32
        %dma_start3A_50 = arith.constant 0 : i32
        %dma_start3A_51 = tpu.memref_slice %arg14[%dma_start3A_49, %dma_start3A_50] : memref<10000x80xf32, #tpu.memory_space<vmem_shared>> -> memref<10000x80xf32, #tpu.memory_space<vmem_shared>>
        tpu.enqueue_indirect_dma source(%arg12 : memref<80x80xf32, #tpu.memory_space<vmem>>) target(%dma_start3A_51 : memref<10000x80xf32, #tpu.memory_space<vmem_shared>>) offsets(%arg9 : memref<80xi32, #tpu.memory_space<vmem>>) semaphore(%run_scoped3A : memref<!tpu.dma_semaphore, #tpu.memory_space<semaphore_mem>>) {add = true}
        %dma_wait3A_52 = arith.constant 0 : i32
        %dma_wait3A_53 = arith.constant 0 : i32
        %dma_wait3A_54 = tpu.memref_slice %arg14[%dma_wait3A_52, %dma_wait3A_53] : memref<10000x80xf32, #tpu.memory_space<vmem_shared>> -> memref<10000x80xf32, #tpu.memory_space<vmem_shared>>
        tpu.wait_indirect_dma semaphore(%run_scoped3A : memref<!tpu.dma_semaphore, #tpu.memory_space<semaphore_mem>>) src(%arg12 : memref<80x80xf32, #tpu.memory_space<vmem>>) dst(%dma_wait3A_54 : memref<10000x80xf32, #tpu.memory_space<vmem_shared>>)
        tpu.yield
      }) : () -> ()
    }
    %scan3A_22 = arith.constant 125 : i32
    %barrier3A_23 = arith.constant 0 : index
    tpu.barrier barrier_id(%barrier3A_23)
    "tpu.region"() ({
      %run_scoped3A = tpu.sem_alloc : memref<!tpu.dma_semaphore, #tpu.memory_space<semaphore_mem>>
      %dma_start3A = arith.constant 0 : i32
      %dma_start3A_29 = tpu.memref_slice %arg7[%arg0, %mul3A_2, %dma_start3A] : memref<2x10000x80xf32, #tpu.memory_space<hbm>> -> memref<1x624x80xf32, #tpu.memory_space<hbm>>
      %dma_start3A_30 = tpu.memref_squeeze %dma_start3A_29 : memref<1x624x80xf32, #tpu.memory_space<hbm>> -> memref<624x80xf32, #tpu.memory_space<hbm>>
      %dma_start3A_31 = arith.constant 0 : i32
      %dma_start3A_32 = tpu.memref_slice %arg14[%mul3A_2, %dma_start3A_31] : memref<10000x80xf32, #tpu.memory_space<vmem_shared>> -> memref<624x80xf32, #tpu.memory_space<vmem_shared>>
      tpu.enqueue_dma source(%dma_start3A_32 : memref<624x80xf32, #tpu.memory_space<vmem_shared>>) target(%dma_start3A_30 : memref<624x80xf32, #tpu.memory_space<hbm>>) target_semaphore(%run_scoped3A : memref<!tpu.dma_semaphore, #tpu.memory_space<semaphore_mem>>)
      %dma_wait3A = arith.constant 0 : i32
      %dma_wait3A_33 = tpu.memref_slice %arg7[%arg0, %mul3A_2, %dma_wait3A] : memref<2x10000x80xf32, #tpu.memory_space<hbm>> -> memref<1x624x80xf32, #tpu.memory_space<hbm>>
      %dma_wait3A_34 = tpu.memref_squeeze %dma_wait3A_33 : memref<1x624x80xf32, #tpu.memory_space<hbm>> -> memref<624x80xf32, #tpu.memory_space<hbm>>
      %dma_wait3A_35 = arith.constant 0 : i32
      %dma_wait3A_36 = tpu.memref_slice %arg14[%mul3A_2, %dma_wait3A_35] : memref<10000x80xf32, #tpu.memory_space<vmem_shared>> -> memref<624x80xf32, #tpu.memory_space<vmem_shared>>
      tpu.wait_dma2 semaphore(%run_scoped3A : memref<!tpu.dma_semaphore, #tpu.memory_space<semaphore_mem>>) src(%dma_wait3A_36 : memref<624x80xf32, #tpu.memory_space<vmem_shared>>) dst(%dma_wait3A_34 : memref<624x80xf32, #tpu.memory_space<hbm>>)
      tpu.yield
    }) : () -> ()
    %eq3A_24 = arith.constant 0 : i32
    %eq3A_25 = arith.cmpi eq, %arg1, %eq3A_24 : i32
    %convert_element_type3A_26 = arith.extui %eq3A_25 : i1 to i32
    %cond3A_27 = arith.constant 0 : i32
    %cond3A_28 = arith.cmpi ne, %convert_element_type3A_26, %cond3A_27 : i32
    scf.if %cond3A_28 {
      "tpu.region"() ({
        %run_scoped3A = tpu.sem_alloc : memref<!tpu.dma_semaphore, #tpu.memory_space<semaphore_mem>>
        %dma_start3A = arith.constant 9984 : i32
        %dma_start3A_29 = arith.constant 0 : i32
        %dma_start3A_30 = tpu.memref_slice %arg7[%arg0, %dma_start3A, %dma_start3A_29] : memref<2x10000x80xf32, #tpu.memory_space<hbm>> -> memref<1x16x80xf32, #tpu.memory_space<hbm>>
        %dma_start3A_31 = tpu.memref_squeeze %dma_start3A_30 : memref<1x16x80xf32, #tpu.memory_space<hbm>> -> memref<16x80xf32, #tpu.memory_space<hbm>>
        %dma_start3A_32 = arith.constant 9984 : i32
        %dma_start3A_33 = arith.constant 0 : i32
        %dma_start3A_34 = tpu.memref_slice %arg14[%dma_start3A_32, %dma_start3A_33] : memref<10000x80xf32, #tpu.memory_space<vmem_shared>> -> memref<16x80xf32, #tpu.memory_space<vmem_shared>>
        tpu.enqueue_dma source(%dma_start3A_34 : memref<16x80xf32, #tpu.memory_space<vmem_shared>>) target(%dma_start3A_31 : memref<16x80xf32, #tpu.memory_space<hbm>>) target_semaphore(%run_scoped3A : memref<!tpu.dma_semaphore, #tpu.memory_space<semaphore_mem>>)
        %dma_wait3A = arith.constant 9984 : i32
        %dma_wait3A_35 = arith.constant 0 : i32
        %dma_wait3A_36 = tpu.memref_slice %arg7[%arg0, %dma_wait3A, %dma_wait3A_35] : memref<2x10000x80xf32, #tpu.memory_space<hbm>> -> memref<1x16x80xf32, #tpu.memory_space<hbm>>
        %dma_wait3A_37 = tpu.memref_squeeze %dma_wait3A_36 : memref<1x16x80xf32, #tpu.memory_space<hbm>> -> memref<16x80xf32, #tpu.memory_space<hbm>>
        %dma_wait3A_38 = arith.constant 9984 : i32
        %dma_wait3A_39 = arith.constant 0 : i32
        %dma_wait3A_40 = tpu.memref_slice %arg14[%dma_wait3A_38, %dma_wait3A_39] : memref<10000x80xf32, #tpu.memory_space<vmem_shared>> -> memref<16x80xf32, #tpu.memory_space<vmem_shared>>
        tpu.wait_dma2 semaphore(%run_scoped3A : memref<!tpu.dma_semaphore, #tpu.memory_space<semaphore_mem>>) src(%dma_wait3A_40 : memref<16x80xf32, #tpu.memory_space<vmem_shared>>) dst(%dma_wait3A_37 : memref<16x80xf32, #tpu.memory_space<hbm>>)
        tpu.yield
      }) : () -> ()
    } else {
    }
    return
  }
}

#map = affine_map<(d0, d1) -> (0)>
#map1 = affine_map<(d0, d1) -> (0, 0)>
#map2 = affine_map<(d0, d1) -> (0, 0, 0)>
module attributes {stable_mosaic.version = 14 : i64} {
  func.func @_sc_edge(%arg0: i32, %arg1: i32, %arg2: memref<320000xi32, #tpu.memory_space<hbm>>, %arg3: memref<320000xi32, #tpu.memory_space<hbm>>, %arg4: memref<10000x80xf32, #tpu.memory_space<hbm>>, %arg5: memref<10000x8xf32, #tpu.memory_space<hbm>>, %arg6: memref<10000x80xf32, #tpu.memory_space<hbm>>, %arg7: memref<2x10000x80xf32, #tpu.memory_space<hbm>>, %arg8: memref<80xi32, #tpu.memory_space<vmem>>, %arg9: memref<80xi32, #tpu.memory_space<vmem>>, %arg10: memref<80x80xf32, #tpu.memory_space<vmem>>, %arg11: memref<80x8xf32, #tpu.memory_space<vmem>>, %arg12: memref<80x80xf32, #tpu.memory_space<vmem>>, %arg13: memref<16xf32, #tpu.memory_space<vmem>>, %arg14: memref<10000x80xf32, #tpu.memory_space<vmem_shared>>, %arg15: memref<!tpu.dma_semaphore, #tpu.memory_space<semaphore_mem>>, %arg16: memref<!tpu.dma_semaphore, #tpu.memory_space<semaphore_mem>>) attributes {dimension_semantics = [#tpu.dimension_semantics<core_parallel>, #tpu.dimension_semantics<subcore_parallel>], iteration_bounds = array<i64: 2, 16>, scalar_prefetch = 0 : i64, scratch_operands = 9 : i64, tpu.core_type = #tpu.core_type<sc_vector_subcore>, window_params = [{transform_indices = #map}, {transform_indices = #map}, {transform_indices = #map1}, {transform_indices = #map1}, {transform_indices = #map1}, {transform_indices = #map2}]} {
    %mul3A = arith.constant 2 : i32
    %mul3A_0 = arith.muli %arg1, %mul3A : i32
    %add3A = arith.addi %mul3A_0, %arg0 : i32
    %mul3A_1 = arith.constant 624 : i32
    %mul3A_2 = arith.muli %arg1, %mul3A_1 : i32
    "tpu.region"() ({
      %run_scoped3A = tpu.sem_alloc : memref<!tpu.dma_semaphore, #tpu.memory_space<semaphore_mem>>
      %dma_start3A = arith.constant 0 : i32
      %dma_start3A_29 = tpu.memref_slice %arg14[%mul3A_2, %dma_start3A] : memref<10000x80xf32, #tpu.memory_space<vmem_shared>> -> memref<624x80xf32, #tpu.memory_space<vmem_shared>>
      %dma_start3A_30 = arith.constant 0 : i32
      %dma_start3A_31 = tpu.memref_slice %arg6[%mul3A_2, %dma_start3A_30] : memref<10000x80xf32, #tpu.memory_space<hbm>> -> memref<624x80xf32, #tpu.memory_space<hbm>>
      tpu.enqueue_dma source(%dma_start3A_31 : memref<624x80xf32, #tpu.memory_space<hbm>>) target(%dma_start3A_29 : memref<624x80xf32, #tpu.memory_space<vmem_shared>>) target_semaphore(%run_scoped3A : memref<!tpu.dma_semaphore, #tpu.memory_space<semaphore_mem>>)
      %dma_wait3A = arith.constant 0 : i32
      %dma_wait3A_32 = tpu.memref_slice %arg14[%mul3A_2, %dma_wait3A] : memref<10000x80xf32, #tpu.memory_space<vmem_shared>> -> memref<624x80xf32, #tpu.memory_space<vmem_shared>>
      %dma_wait3A_33 = arith.constant 0 : i32
      %dma_wait3A_34 = tpu.memref_slice %arg6[%mul3A_2, %dma_wait3A_33] : memref<10000x80xf32, #tpu.memory_space<hbm>> -> memref<624x80xf32, #tpu.memory_space<hbm>>
      tpu.wait_dma2 semaphore(%run_scoped3A : memref<!tpu.dma_semaphore, #tpu.memory_space<semaphore_mem>>) src(%dma_wait3A_34 : memref<624x80xf32, #tpu.memory_space<hbm>>) dst(%dma_wait3A_32 : memref<624x80xf32, #tpu.memory_space<vmem_shared>>)
      tpu.yield
    }) : () -> ()
    %eq3A = arith.constant 0 : i32
    %eq3A_3 = arith.cmpi eq, %arg1, %eq3A : i32
    %convert_element_type3A = arith.extui %eq3A_3 : i1 to i32
    %cond3A = arith.constant 0 : i32
    %cond3A_4 = arith.cmpi ne, %convert_element_type3A, %cond3A : i32
    scf.if %cond3A_4 {
      "tpu.region"() ({
        %run_scoped3A = tpu.sem_alloc : memref<!tpu.dma_semaphore, #tpu.memory_space<semaphore_mem>>
        %dma_start3A = arith.constant 9984 : i32
        %dma_start3A_29 = arith.constant 0 : i32
        %dma_start3A_30 = tpu.memref_slice %arg14[%dma_start3A, %dma_start3A_29] : memref<10000x80xf32, #tpu.memory_space<vmem_shared>> -> memref<16x80xf32, #tpu.memory_space<vmem_shared>>
        %dma_start3A_31 = arith.constant 9984 : i32
        %dma_start3A_32 = arith.constant 0 : i32
        %dma_start3A_33 = tpu.memref_slice %arg6[%dma_start3A_31, %dma_start3A_32] : memref<10000x80xf32, #tpu.memory_space<hbm>> -> memref<16x80xf32, #tpu.memory_space<hbm>>
        tpu.enqueue_dma source(%dma_start3A_33 : memref<16x80xf32, #tpu.memory_space<hbm>>) target(%dma_start3A_30 : memref<16x80xf32, #tpu.memory_space<vmem_shared>>) target_semaphore(%run_scoped3A : memref<!tpu.dma_semaphore, #tpu.memory_space<semaphore_mem>>)
        %dma_wait3A = arith.constant 9984 : i32
        %dma_wait3A_34 = arith.constant 0 : i32
        %dma_wait3A_35 = tpu.memref_slice %arg14[%dma_wait3A, %dma_wait3A_34] : memref<10000x80xf32, #tpu.memory_space<vmem_shared>> -> memref<16x80xf32, #tpu.memory_space<vmem_shared>>
        %dma_wait3A_36 = arith.constant 9984 : i32
        %dma_wait3A_37 = arith.constant 0 : i32
        %dma_wait3A_38 = tpu.memref_slice %arg6[%dma_wait3A_36, %dma_wait3A_37] : memref<10000x80xf32, #tpu.memory_space<hbm>> -> memref<16x80xf32, #tpu.memory_space<hbm>>
        tpu.wait_dma2 semaphore(%run_scoped3A : memref<!tpu.dma_semaphore, #tpu.memory_space<semaphore_mem>>) src(%dma_wait3A_38 : memref<16x80xf32, #tpu.memory_space<hbm>>) dst(%dma_wait3A_35 : memref<16x80xf32, #tpu.memory_space<vmem_shared>>)
        tpu.yield
      }) : () -> ()
    } else {
    }
    %broadcast_in_dim3A = arith.constant 0.000000e+00 : f32
    %broadcast_in_dim3A_5 = vector.broadcast %broadcast_in_dim3A : f32 to vector<16xf32>
    %scan3A = arith.constant 0 : i32
    %scan3A_6 = arith.constant 0 : i32
    %scan3A_7 = arith.constant 80 : i32
    %scan3A_8 = arith.addi %scan3A_6, %scan3A_7 : i32
    %scan3A_9 = arith.constant 1 : i32
    scf.for %scan3A_29 = %scan3A_6 to %scan3A_8 step %scan3A_9  : i32 {
      %swap3A = arith.index_cast %scan3A_29 : i32 to index
      %swap3A_30 = arith.constant 64 : index
      %swap3A_31 = tpu.vector_load %arg12[%swap3A, %swap3A_30] {strides = array<i32>} : memref<80x80xf32, #tpu.memory_space<vmem>>, vector<16xf32>,
      tpu.vector_store %arg12[%swap3A, %swap3A_30], %broadcast_in_dim3A_5 {strides = array<i32>} : memref<80x80xf32, #tpu.memory_space<vmem>>, vector<16xf32>,
    }
    %scan3A_10 = arith.constant 80 : i32
    %barrier3A = arith.constant 0 : index
    tpu.barrier barrier_id(%barrier3A)
    %iota3A = tpu.iota {dimensions = array<i32: 0>} : vector<16xi32>
    %and3A = arith.constant 7 : i32
    %and3A_11 = vector.broadcast %and3A : i32 to vector<16xi32>
    %and3A_12 = arith.andi %iota3A, %and3A_11 : vector<16xi32>
    %shift_right_arithmetic3A = arith.constant 3 : i32
    %shift_right_arithmetic3A_13 = vector.broadcast %shift_right_arithmetic3A : i32 to vector<16xi32>
    %shift_right_arithmetic3A_14 = arith.shrsi %iota3A, %shift_right_arithmetic3A_13 : vector<16xi32>
    %mul3A_15 = arith.constant 10000 : i32
    %mul3A_16 = arith.muli %add3A, %mul3A_15 : i32
    %scan3A_17 = arith.constant 0 : i32
    %scan3A_18 = arith.constant 0 : i32
    %scan3A_19 = arith.constant 125 : i32
    %scan3A_20 = arith.addi %scan3A_18, %scan3A_19 : i32
    %scan3A_21 = arith.constant 1 : i32
    scf.for %scan3A_29 = %scan3A_18 to %scan3A_20 step %scan3A_21  : i32 {
      %mul3A_30 = arith.constant 80 : i32
      %mul3A_31 = arith.muli %scan3A_29, %mul3A_30 : i32
      %add3A_32 = arith.addi %mul3A_16, %mul3A_31 : i32
      "tpu.region"() ({
        %run_scoped3A = tpu.sem_alloc : memref<!tpu.dma_semaphore, #tpu.memory_space<semaphore_mem>>
        %dma_start3A_49 = tpu.memref_slice %arg2[%add3A_32] : memref<320000xi32, #tpu.memory_space<hbm>> -> memref<80xi32, #tpu.memory_space<hbm>>
        %dma_start3A_50 = tpu.memref_slice %arg2[%add3A_32] : memref<320000xi32, #tpu.memory_space<hbm>> -> memref<80xi32, #tpu.memory_space<hbm>>
        tpu.enqueue_dma source(%dma_start3A_50 : memref<80xi32, #tpu.memory_space<hbm>>) target(%arg8 : memref<80xi32, #tpu.memory_space<vmem>>) target_semaphore(%run_scoped3A : memref<!tpu.dma_semaphore, #tpu.memory_space<semaphore_mem>>)
        %dma_wait3A_51 = tpu.memref_slice %arg2[%add3A_32] : memref<320000xi32, #tpu.memory_space<hbm>> -> memref<80xi32, #tpu.memory_space<hbm>>
        %dma_wait3A_52 = tpu.memref_slice %arg2[%add3A_32] : memref<320000xi32, #tpu.memory_space<hbm>> -> memref<80xi32, #tpu.memory_space<hbm>>
        tpu.wait_dma2 semaphore(%run_scoped3A : memref<!tpu.dma_semaphore, #tpu.memory_space<semaphore_mem>>) src(%dma_wait3A_52 : memref<80xi32, #tpu.memory_space<hbm>>) dst(%arg8 : memref<80xi32, #tpu.memory_space<vmem>>)
        tpu.yield
      }) : () -> ()
      "tpu.region"() ({
        %run_scoped3A = tpu.sem_alloc : memref<!tpu.dma_semaphore, #tpu.memory_space<semaphore_mem>>
        %dma_start3A_49 = tpu.memref_slice %arg3[%add3A_32] : memref<320000xi32, #tpu.memory_space<hbm>> -> memref<80xi32, #tpu.memory_space<hbm>>
        %dma_start3A_50 = tpu.memref_slice %arg3[%add3A_32] : memref<320000xi32, #tpu.memory_space<hbm>> -> memref<80xi32, #tpu.memory_space<hbm>>
        tpu.enqueue_dma source(%dma_start3A_50 : memref<80xi32, #tpu.memory_space<hbm>>) target(%arg9 : memref<80xi32, #tpu.memory_space<vmem>>) target_semaphore(%run_scoped3A : memref<!tpu.dma_semaphore, #tpu.memory_space<semaphore_mem>>)
        %dma_wait3A_51 = tpu.memref_slice %arg3[%add3A_32] : memref<320000xi32, #tpu.memory_space<hbm>> -> memref<80xi32, #tpu.memory_space<hbm>>
        %dma_wait3A_52 = tpu.memref_slice %arg3[%add3A_32] : memref<320000xi32, #tpu.memory_space<hbm>> -> memref<80xi32, #tpu.memory_space<hbm>>
        tpu.wait_dma2 semaphore(%run_scoped3A : memref<!tpu.dma_semaphore, #tpu.memory_space<semaphore_mem>>) src(%dma_wait3A_52 : memref<80xi32, #tpu.memory_space<hbm>>) dst(%arg9 : memref<80xi32, #tpu.memory_space<vmem>>)
        tpu.yield
      }) : () -> ()
      %dma_start3A = arith.constant 0 : i32
      %dma_start3A_33 = arith.constant 0 : i32
      %dma_start3A_34 = tpu.memref_slice %arg4[%dma_start3A, %dma_start3A_33] : memref<10000x80xf32, #tpu.memory_space<hbm>> -> memref<10000x80xf32, #tpu.memory_space<hbm>>
      tpu.enqueue_indirect_dma source(%dma_start3A_34 : memref<10000x80xf32, #tpu.memory_space<hbm>>) target(%arg10 : memref<80x80xf32, #tpu.memory_space<vmem>>) offsets(%arg8 : memref<80xi32, #tpu.memory_space<vmem>>) semaphore(%arg15 : memref<!tpu.dma_semaphore, #tpu.memory_space<semaphore_mem>>)
      %dma_start3A_35 = arith.constant 0 : i32
      %dma_start3A_36 = arith.constant 0 : i32
      %dma_start3A_37 = tpu.memref_slice %arg5[%dma_start3A_35, %dma_start3A_36] : memref<10000x8xf32, #tpu.memory_space<hbm>> -> memref<10000x8xf32, #tpu.memory_space<hbm>>
      tpu.enqueue_indirect_dma source(%dma_start3A_37 : memref<10000x8xf32, #tpu.memory_space<hbm>>) target(%arg11 : memref<80x8xf32, #tpu.memory_space<vmem>>) offsets(%arg9 : memref<80xi32, #tpu.memory_space<vmem>>) semaphore(%arg16 : memref<!tpu.dma_semaphore, #tpu.memory_space<semaphore_mem>>)
      %dma_wait3A = arith.constant 0 : i32
      %dma_wait3A_38 = arith.constant 0 : i32
      %dma_wait3A_39 = tpu.memref_slice %arg4[%dma_wait3A, %dma_wait3A_38] : memref<10000x80xf32, #tpu.memory_space<hbm>> -> memref<10000x80xf32, #tpu.memory_space<hbm>>
      tpu.wait_indirect_dma semaphore(%arg15 : memref<!tpu.dma_semaphore, #tpu.memory_space<semaphore_mem>>) src(%dma_wait3A_39 : memref<10000x80xf32, #tpu.memory_space<hbm>>) dst(%arg10 : memref<80x80xf32, #tpu.memory_space<vmem>>)
      %dma_wait3A_40 = arith.constant 0 : i32
      %dma_wait3A_41 = arith.constant 0 : i32
      %dma_wait3A_42 = tpu.memref_slice %arg5[%dma_wait3A_40, %dma_wait3A_41] : memref<10000x8xf32, #tpu.memory_space<hbm>> -> memref<10000x8xf32, #tpu.memory_space<hbm>>
      tpu.wait_indirect_dma semaphore(%arg16 : memref<!tpu.dma_semaphore, #tpu.memory_space<semaphore_mem>>) src(%dma_wait3A_42 : memref<10000x8xf32, #tpu.memory_space<hbm>>) dst(%arg11 : memref<80x8xf32, #tpu.memory_space<vmem>>)
      %scan3A_43 = arith.constant 0 : i32
      %scan3A_44 = arith.constant 0 : i32
      %scan3A_45 = arith.constant 40 : i32
      %scan3A_46 = arith.addi %scan3A_44, %scan3A_45 : i32
      %scan3A_47 = arith.constant 1 : i32
      scf.for %scan3A_49 = %scan3A_44 to %scan3A_46 step %scan3A_47  : i32 {
        %mul3A_50 = arith.constant 2 : i32
        %mul3A_51 = arith.muli %mul3A_50, %scan3A_49 : i32
        %add3A_52 = vector.broadcast %mul3A_51 : i32 to vector<16xi32>
        %add3A_53 = arith.addi %add3A_52, %shift_right_arithmetic3A_14 : vector<16xi32>
        %gather3A = tpu.vector_load_idx %arg10[%add3A_53, %and3A_12] : memref<80x80xf32, #tpu.memory_space<vmem>>[vector<16xi32>, vector<16xi32>], vector<16xf32>,
        %gather3A_54 = tpu.vector_load_idx %arg11[%add3A_53, %and3A_12] : memref<80x8xf32, #tpu.memory_space<vmem>>[vector<16xi32>, vector<16xi32>], vector<16xf32>,
        %add3A_55 = arith.addf %gather3A, %gather3A_54 : vector<16xf32>
        %mul3A_56 = arith.constant 2.000000e-01 : f32
        %mul3A_57 = vector.broadcast %mul3A_56 : f32 to vector<16xf32>
        %mul3A_58 = arith.mulf %mul3A_57, %add3A_55 : vector<16xf32>
        %max3A = arith.maximumf %add3A_55, %mul3A_58 : vector<16xf32>
        %exp3A = math.exp %max3A : vector<16xf32>
        %swap3A = arith.constant 0 : index
        %swap3A_59 = tpu.vector_load %arg13[%swap3A] {strides = array<i32>} : memref<16xf32, #tpu.memory_space<vmem>>, vector<16xf32>,
        tpu.vector_store %arg13[%swap3A], %exp3A {strides = array<i32>} : memref<16xf32, #tpu.memory_space<vmem>>, vector<16xf32>,
        tpu.vector_store_idx %arg12[%add3A_53, %and3A_12], %exp3A : memref<80x80xf32, #tpu.memory_space<vmem>>[vector<16xi32>, vector<16xi32>], vector<16xf32>,
        %add3A_60 = arith.constant 0 : i32
        %add3A_61 = vector.broadcast %add3A_60 : i32 to vector<16xi32>
        %add3A_62 = arith.addi %shift_right_arithmetic3A_14, %add3A_61 : vector<16xi32>
        %add3A_63 = arith.constant 8 : i32
        %add3A_64 = vector.broadcast %add3A_63 : i32 to vector<16xi32>
        %add3A_65 = arith.addi %add3A_62, %add3A_64 : vector<16xi32>
        %gather3A_66 = tpu.vector_load_idx %arg13[%add3A_62] : memref<16xf32, #tpu.memory_space<vmem>>[vector<16xi32>], vector<16xf32>,
        %gather3A_67 = tpu.vector_load_idx %arg13[%add3A_65] : memref<16xf32, #tpu.memory_space<vmem>>[vector<16xi32>], vector<16xf32>,
        %get3A = arith.index_cast %mul3A_51 : i32 to index
        %get3A_68 = arith.constant 8 : index
        %get3A_69 = tpu.vector_load %arg10[%get3A, %get3A_68] {strides = array<i32>} : memref<80x80xf32, #tpu.memory_space<vmem>>, vector<16xf32>,
        %add3A_70 = arith.constant 1 : i32
        %add3A_71 = arith.addi %mul3A_51, %add3A_70 : i32
        %get3A_72 = arith.index_cast %add3A_71 : i32 to index
        %get3A_73 = arith.constant 8 : index
        %get3A_74 = tpu.vector_load %arg10[%get3A_72, %get3A_73] {strides = array<i32>} : memref<80x80xf32, #tpu.memory_space<vmem>>, vector<16xf32>,
        %mul3A_75 = arith.mulf %get3A_69, %gather3A_66 : vector<16xf32>
        %swap3A_76 = arith.index_cast %mul3A_51 : i32 to index
        %swap3A_77 = arith.constant 8 : index
        %swap3A_78 = tpu.vector_load %arg12[%swap3A_76, %swap3A_77] {strides = array<i32>} : memref<80x80xf32, #tpu.memory_space<vmem>>, vector<16xf32>,
        tpu.vector_store %arg12[%swap3A_76, %swap3A_77], %mul3A_75 {strides = array<i32>} : memref<80x80xf32, #tpu.memory_space<vmem>>, vector<16xf32>,
        %mul3A_79 = arith.mulf %get3A_74, %gather3A_67 : vector<16xf32>
        %add3A_80 = arith.constant 1 : i32
        %add3A_81 = arith.addi %mul3A_51, %add3A_80 : i32
        %swap3A_82 = arith.index_cast %add3A_81 : i32 to index
        %swap3A_83 = arith.constant 8 : index
        %swap3A_84 = tpu.vector_load %arg12[%swap3A_82, %swap3A_83] {strides = array<i32>} : memref<80x80xf32, #tpu.memory_space<vmem>>, vector<16xf32>,
        tpu.vector_store %arg12[%swap3A_82, %swap3A_83], %mul3A_79 {strides = array<i32>} : memref<80x80xf32, #tpu.memory_space<vmem>>, vector<16xf32>,
        %add3A_85 = arith.constant 2 : i32
        %add3A_86 = vector.broadcast %add3A_85 : i32 to vector<16xi32>
        %add3A_87 = arith.addi %shift_right_arithmetic3A_14, %add3A_86 : vector<16xi32>
        %add3A_88 = arith.constant 8 : i32
        %add3A_89 = vector.broadcast %add3A_88 : i32 to vector<16xi32>
        %add3A_90 = arith.addi %add3A_87, %add3A_89 : vector<16xi32>
        %gather3A_91 = tpu.vector_load_idx %arg13[%add3A_87] : memref<16xf32, #tpu.memory_space<vmem>>[vector<16xi32>], vector<16xf32>,
        %gather3A_92 = tpu.vector_load_idx %arg13[%add3A_90] : memref<16xf32, #tpu.memory_space<vmem>>[vector<16xi32>], vector<16xf32>,
        %get3A_93 = arith.index_cast %mul3A_51 : i32 to index
        %get3A_94 = arith.constant 24 : index
        %get3A_95 = tpu.vector_load %arg10[%get3A_93, %get3A_94] {strides = array<i32>} : memref<80x80xf32, #tpu.memory_space<vmem>>, vector<16xf32>,
        %add3A_96 = arith.constant 1 : i32
        %add3A_97 = arith.addi %mul3A_51, %add3A_96 : i32
        %get3A_98 = arith.index_cast %add3A_97 : i32 to index
        %get3A_99 = arith.constant 24 : index
        %get3A_100 = tpu.vector_load %arg10[%get3A_98, %get3A_99] {strides = array<i32>} : memref<80x80xf32, #tpu.memory_space<vmem>>, vector<16xf32>,
        %mul3A_101 = arith.mulf %get3A_95, %gather3A_91 : vector<16xf32>
        %swap3A_102 = arith.index_cast %mul3A_51 : i32 to index
        %swap3A_103 = arith.constant 24 : index
        %swap3A_104 = tpu.vector_load %arg12[%swap3A_102, %swap3A_103] {strides = array<i32>} : memref<80x80xf32, #tpu.memory_space<vmem>>, vector<16xf32>,
        tpu.vector_store %arg12[%swap3A_102, %swap3A_103], %mul3A_101 {strides = array<i32>} : memref<80x80xf32, #tpu.memory_space<vmem>>, vector<16xf32>,
        %mul3A_105 = arith.mulf %get3A_100, %gather3A_92 : vector<16xf32>
        %add3A_106 = arith.constant 1 : i32
        %add3A_107 = arith.addi %mul3A_51, %add3A_106 : i32
        %swap3A_108 = arith.index_cast %add3A_107 : i32 to index
        %swap3A_109 = arith.constant 24 : index
        %swap3A_110 = tpu.vector_load %arg12[%swap3A_108, %swap3A_109] {strides = array<i32>} : memref<80x80xf32, #tpu.memory_space<vmem>>, vector<16xf32>,
        tpu.vector_store %arg12[%swap3A_108, %swap3A_109], %mul3A_105 {strides = array<i32>} : memref<80x80xf32, #tpu.memory_space<vmem>>, vector<16xf32>,
        %add3A_111 = arith.constant 4 : i32
        %add3A_112 = vector.broadcast %add3A_111 : i32 to vector<16xi32>
        %add3A_113 = arith.addi %shift_right_arithmetic3A_14, %add3A_112 : vector<16xi32>
        %add3A_114 = arith.constant 8 : i32
        %add3A_115 = vector.broadcast %add3A_114 : i32 to vector<16xi32>
        %add3A_116 = arith.addi %add3A_113, %add3A_115 : vector<16xi32>
        %gather3A_117 = tpu.vector_load_idx %arg13[%add3A_113] : memref<16xf32, #tpu.memory_space<vmem>>[vector<16xi32>], vector<16xf32>,
        %gather3A_118 = tpu.vector_load_idx %arg13[%add3A_116] : memref<16xf32, #tpu.memory_space<vmem>>[vector<16xi32>], vector<16xf32>,
        %get3A_119 = arith.index_cast %mul3A_51 : i32 to index
        %get3A_120 = arith.constant 40 : index
        %get3A_121 = tpu.vector_load %arg10[%get3A_119, %get3A_120] {strides = array<i32>} : memref<80x80xf32, #tpu.memory_space<vmem>>, vector<16xf32>,
        %add3A_122 = arith.constant 1 : i32
        %add3A_123 = arith.addi %mul3A_51, %add3A_122 : i32
        %get3A_124 = arith.index_cast %add3A_123 : i32 to index
        %get3A_125 = arith.constant 40 : index
        %get3A_126 = tpu.vector_load %arg10[%get3A_124, %get3A_125] {strides = array<i32>} : memref<80x80xf32, #tpu.memory_space<vmem>>, vector<16xf32>,
        %mul3A_127 = arith.mulf %get3A_121, %gather3A_117 : vector<16xf32>
        %swap3A_128 = arith.index_cast %mul3A_51 : i32 to index
        %swap3A_129 = arith.constant 40 : index
        %swap3A_130 = tpu.vector_load %arg12[%swap3A_128, %swap3A_129] {strides = array<i32>} : memref<80x80xf32, #tpu.memory_space<vmem>>, vector<16xf32>,
        tpu.vector_store %arg12[%swap3A_128, %swap3A_129], %mul3A_127 {strides = array<i32>} : memref<80x80xf32, #tpu.memory_space<vmem>>, vector<16xf32>,
        %mul3A_131 = arith.mulf %get3A_126, %gather3A_118 : vector<16xf32>
        %add3A_132 = arith.constant 1 : i32
        %add3A_133 = arith.addi %mul3A_51, %add3A_132 : i32
        %swap3A_134 = arith.index_cast %add3A_133 : i32 to index
        %swap3A_135 = arith.constant 40 : index
        %swap3A_136 = tpu.vector_load %arg12[%swap3A_134, %swap3A_135] {strides = array<i32>} : memref<80x80xf32, #tpu.memory_space<vmem>>, vector<16xf32>,
        tpu.vector_store %arg12[%swap3A_134, %swap3A_135], %mul3A_131 {strides = array<i32>} : memref<80x80xf32, #tpu.memory_space<vmem>>, vector<16xf32>,
        %add3A_137 = arith.constant 6 : i32
        %add3A_138 = vector.broadcast %add3A_137 : i32 to vector<16xi32>
        %add3A_139 = arith.addi %shift_right_arithmetic3A_14, %add3A_138 : vector<16xi32>
        %add3A_140 = arith.constant 8 : i32
        %add3A_141 = vector.broadcast %add3A_140 : i32 to vector<16xi32>
        %add3A_142 = arith.addi %add3A_139, %add3A_141 : vector<16xi32>
        %gather3A_143 = tpu.vector_load_idx %arg13[%add3A_139] : memref<16xf32, #tpu.memory_space<vmem>>[vector<16xi32>], vector<16xf32>,
        %gather3A_144 = tpu.vector_load_idx %arg13[%add3A_142] : memref<16xf32, #tpu.memory_space<vmem>>[vector<16xi32>], vector<16xf32>,
        %get3A_145 = arith.index_cast %mul3A_51 : i32 to index
        %get3A_146 = arith.constant 56 : index
        %get3A_147 = tpu.vector_load %arg10[%get3A_145, %get3A_146] {strides = array<i32>} : memref<80x80xf32, #tpu.memory_space<vmem>>, vector<16xf32>,
        %add3A_148 = arith.constant 1 : i32
        %add3A_149 = arith.addi %mul3A_51, %add3A_148 : i32
        %get3A_150 = arith.index_cast %add3A_149 : i32 to index
        %get3A_151 = arith.constant 56 : index
        %get3A_152 = tpu.vector_load %arg10[%get3A_150, %get3A_151] {strides = array<i32>} : memref<80x80xf32, #tpu.memory_space<vmem>>, vector<16xf32>,
        %mul3A_153 = arith.mulf %get3A_147, %gather3A_143 : vector<16xf32>
        %swap3A_154 = arith.index_cast %mul3A_51 : i32 to index
        %swap3A_155 = arith.constant 56 : index
        %swap3A_156 = tpu.vector_load %arg12[%swap3A_154, %swap3A_155] {strides = array<i32>} : memref<80x80xf32, #tpu.memory_space<vmem>>, vector<16xf32>,
        tpu.vector_store %arg12[%swap3A_154, %swap3A_155], %mul3A_153 {strides = array<i32>} : memref<80x80xf32, #tpu.memory_space<vmem>>, vector<16xf32>,
        %mul3A_157 = arith.mulf %get3A_152, %gather3A_144 : vector<16xf32>
        %add3A_158 = arith.constant 1 : i32
        %add3A_159 = arith.addi %mul3A_51, %add3A_158 : i32
        %swap3A_160 = arith.index_cast %add3A_159 : i32 to index
        %swap3A_161 = arith.constant 56 : index
        %swap3A_162 = tpu.vector_load %arg12[%swap3A_160, %swap3A_161] {strides = array<i32>} : memref<80x80xf32, #tpu.memory_space<vmem>>, vector<16xf32>,
        tpu.vector_store %arg12[%swap3A_160, %swap3A_161], %mul3A_157 {strides = array<i32>} : memref<80x80xf32, #tpu.memory_space<vmem>>, vector<16xf32>,
      }
      %scan3A_48 = arith.constant 40 : i32
      "tpu.region"() ({
        %run_scoped3A = tpu.sem_alloc : memref<!tpu.dma_semaphore, #tpu.memory_space<semaphore_mem>>
        %dma_start3A_49 = arith.constant 0 : i32
        %dma_start3A_50 = arith.constant 0 : i32
        %dma_start3A_51 = tpu.memref_slice %arg14[%dma_start3A_49, %dma_start3A_50] : memref<10000x80xf32, #tpu.memory_space<vmem_shared>> -> memref<10000x80xf32, #tpu.memory_space<vmem_shared>>
        tpu.enqueue_indirect_dma source(%arg12 : memref<80x80xf32, #tpu.memory_space<vmem>>) target(%dma_start3A_51 : memref<10000x80xf32, #tpu.memory_space<vmem_shared>>) offsets(%arg9 : memref<80xi32, #tpu.memory_space<vmem>>) semaphore(%run_scoped3A : memref<!tpu.dma_semaphore, #tpu.memory_space<semaphore_mem>>) {add = true}
        %dma_wait3A_52 = arith.constant 0 : i32
        %dma_wait3A_53 = arith.constant 0 : i32
        %dma_wait3A_54 = tpu.memref_slice %arg14[%dma_wait3A_52, %dma_wait3A_53] : memref<10000x80xf32, #tpu.memory_space<vmem_shared>> -> memref<10000x80xf32, #tpu.memory_space<vmem_shared>>
        tpu.wait_indirect_dma semaphore(%run_scoped3A : memref<!tpu.dma_semaphore, #tpu.memory_space<semaphore_mem>>) src(%arg12 : memref<80x80xf32, #tpu.memory_space<vmem>>) dst(%dma_wait3A_54 : memref<10000x80xf32, #tpu.memory_space<vmem_shared>>)
        tpu.yield
      }) : () -> ()
    }
    %scan3A_22 = arith.constant 125 : i32
    %barrier3A_23 = arith.constant 0 : index
    tpu.barrier barrier_id(%barrier3A_23)
    "tpu.region"() ({
      %run_scoped3A = tpu.sem_alloc : memref<!tpu.dma_semaphore, #tpu.memory_space<semaphore_mem>>
      %dma_start3A = arith.constant 0 : i32
      %dma_start3A_29 = tpu.memref_slice %arg7[%arg0, %mul3A_2, %dma_start3A] : memref<2x10000x80xf32, #tpu.memory_space<hbm>> -> memref<1x624x80xf32, #tpu.memory_space<hbm>>
      %dma_start3A_30 = tpu.memref_squeeze %dma_start3A_29 : memref<1x624x80xf32, #tpu.memory_space<hbm>> -> memref<624x80xf32, #tpu.memory_space<hbm>>
      %dma_start3A_31 = arith.constant 0 : i32
      %dma_start3A_32 = tpu.memref_slice %arg14[%mul3A_2, %dma_start3A_31] : memref<10000x80xf32, #tpu.memory_space<vmem_shared>> -> memref<624x80xf32, #tpu.memory_space<vmem_shared>>
      tpu.enqueue_dma source(%dma_start3A_32 : memref<624x80xf32, #tpu.memory_space<vmem_shared>>) target(%dma_start3A_30 : memref<624x80xf32, #tpu.memory_space<hbm>>) target_semaphore(%run_scoped3A : memref<!tpu.dma_semaphore, #tpu.memory_space<semaphore_mem>>)
      %dma_wait3A = arith.constant 0 : i32
      %dma_wait3A_33 = tpu.memref_slice %arg7[%arg0, %mul3A_2, %dma_wait3A] : memref<2x10000x80xf32, #tpu.memory_space<hbm>> -> memref<1x624x80xf32, #tpu.memory_space<hbm>>
      %dma_wait3A_34 = tpu.memref_squeeze %dma_wait3A_33 : memref<1x624x80xf32, #tpu.memory_space<hbm>> -> memref<624x80xf32, #tpu.memory_space<hbm>>
      %dma_wait3A_35 = arith.constant 0 : i32
      %dma_wait3A_36 = tpu.memref_slice %arg14[%mul3A_2, %dma_wait3A_35] : memref<10000x80xf32, #tpu.memory_space<vmem_shared>> -> memref<624x80xf32, #tpu.memory_space<vmem_shared>>
      tpu.wait_dma2 semaphore(%run_scoped3A : memref<!tpu.dma_semaphore, #tpu.memory_space<semaphore_mem>>) src(%dma_wait3A_36 : memref<624x80xf32, #tpu.memory_space<vmem_shared>>) dst(%dma_wait3A_34 : memref<624x80xf32, #tpu.memory_space<hbm>>)
      tpu.yield
    }) : () -> ()
    %eq3A_24 = arith.constant 0 : i32
    %eq3A_25 = arith.cmpi eq, %arg1, %eq3A_24 : i32
    %convert_element_type3A_26 = arith.extui %eq3A_25 : i1 to i32
    %cond3A_27 = arith.constant 0 : i32
    %cond3A_28 = arith.cmpi ne, %convert_element_type3A_26, %cond3A_27 : i32
    scf.if %cond3A_28 {
      "tpu.region"() ({
        %run_scoped3A = tpu.sem_alloc : memref<!tpu.dma_semaphore, #tpu.memory_space<semaphore_mem>>
        %dma_start3A = arith.constant 9984 : i32
        %dma_start3A_29 = arith.constant 0 : i32
        %dma_start3A_30 = tpu.memref_slice %arg7[%arg0, %dma_start3A, %dma_start3A_29] : memref<2x10000x80xf32, #tpu.memory_space<hbm>> -> memref<1x16x80xf32, #tpu.memory_space<hbm>>
        %dma_start3A_31 = tpu.memref_squeeze %dma_start3A_30 : memref<1x16x80xf32, #tpu.memory_space<hbm>> -> memref<16x80xf32, #tpu.memory_space<hbm>>
        %dma_start3A_32 = arith.constant 9984 : i32
        %dma_start3A_33 = arith.constant 0 : i32
        %dma_start3A_34 = tpu.memref_slice %arg14[%dma_start3A_32, %dma_start3A_33] : memref<10000x80xf32, #tpu.memory_space<vmem_shared>> -> memref<16x80xf32, #tpu.memory_space<vmem_shared>>
        tpu.enqueue_dma source(%dma_start3A_34 : memref<16x80xf32, #tpu.memory_space<vmem_shared>>) target(%dma_start3A_31 : memref<16x80xf32, #tpu.memory_space<hbm>>) target_semaphore(%run_scoped3A : memref<!tpu.dma_semaphore, #tpu.memory_space<semaphore_mem>>)
        %dma_wait3A = arith.constant 9984 : i32
        %dma_wait3A_35 = arith.constant 0 : i32
        %dma_wait3A_36 = tpu.memref_slice %arg7[%arg0, %dma_wait3A, %dma_wait3A_35] : memref<2x10000x80xf32, #tpu.memory_space<hbm>> -> memref<1x16x80xf32, #tpu.memory_space<hbm>>
        %dma_wait3A_37 = tpu.memref_squeeze %dma_wait3A_36 : memref<1x16x80xf32, #tpu.memory_space<hbm>> -> memref<16x80xf32, #tpu.memory_space<hbm>>
        %dma_wait3A_38 = arith.constant 9984 : i32
        %dma_wait3A_39 = arith.constant 0 : i32
        %dma_wait3A_40 = tpu.memref_slice %arg14[%dma_wait3A_38, %dma_wait3A_39] : memref<10000x80xf32, #tpu.memory_space<vmem_shared>> -> memref<16x80xf32, #tpu.memory_space<vmem_shared>>
        tpu.wait_dma2 semaphore(%run_scoped3A : memref<!tpu.dma_semaphore, #tpu.memory_space<semaphore_mem>>) src(%dma_wait3A_40 : memref<16x80xf32, #tpu.memory_space<vmem_shared>>) dst(%dma_wait3A_37 : memref<16x80xf32, #tpu.memory_space<hbm>>)
        tpu.yield
      }) : () -> ()
    } else {
    }
    return
  }
}

#map = affine_map<(d0, d1) -> (0)>
#map1 = affine_map<(d0, d1) -> (0, 0)>
#map2 = affine_map<(d0, d1) -> (0, 0, 0)>
module attributes {stable_mosaic.version = 14 : i64} {
  func.func @_sc_edge(%arg0: i32, %arg1: i32, %arg2: memref<320000xi32, #tpu.memory_space<hbm>>, %arg3: memref<320000xi32, #tpu.memory_space<hbm>>, %arg4: memref<10000x80xf32, #tpu.memory_space<hbm>>, %arg5: memref<10000x8xf32, #tpu.memory_space<hbm>>, %arg6: memref<10000x80xf32, #tpu.memory_space<hbm>>, %arg7: memref<2x10000x80xf32, #tpu.memory_space<hbm>>, %arg8: memref<80xi32, #tpu.memory_space<vmem>>, %arg9: memref<80xi32, #tpu.memory_space<vmem>>, %arg10: memref<80x80xf32, #tpu.memory_space<vmem>>, %arg11: memref<80x8xf32, #tpu.memory_space<vmem>>, %arg12: memref<80x80xf32, #tpu.memory_space<vmem>>, %arg13: memref<16xf32, #tpu.memory_space<vmem>>, %arg14: memref<10000x80xf32, #tpu.memory_space<vmem_shared>>, %arg15: memref<!tpu.dma_semaphore, #tpu.memory_space<semaphore_mem>>, %arg16: memref<!tpu.dma_semaphore, #tpu.memory_space<semaphore_mem>>) attributes {dimension_semantics = [#tpu.dimension_semantics<core_parallel>, #tpu.dimension_semantics<subcore_parallel>], iteration_bounds = array<i64: 2, 16>, scalar_prefetch = 0 : i64, scratch_operands = 9 : i64, tpu.core_type = #tpu.core_type<sc_vector_subcore>, window_params = [{transform_indices = #map}, {transform_indices = #map}, {transform_indices = #map1}, {transform_indices = #map1}, {transform_indices = #map1}, {transform_indices = #map2}]} {
    %mul3A = arith.constant 2 : i32
    %mul3A_0 = arith.muli %arg1, %mul3A : i32
    %add3A = arith.addi %mul3A_0, %arg0 : i32
    %mul3A_1 = arith.constant 624 : i32
    %mul3A_2 = arith.muli %arg1, %mul3A_1 : i32
    "tpu.region"() ({
      %run_scoped3A = tpu.sem_alloc : memref<!tpu.dma_semaphore, #tpu.memory_space<semaphore_mem>>
      %dma_start3A = arith.constant 0 : i32
      %dma_start3A_29 = tpu.memref_slice %arg14[%mul3A_2, %dma_start3A] : memref<10000x80xf32, #tpu.memory_space<vmem_shared>> -> memref<624x80xf32, #tpu.memory_space<vmem_shared>>
      %dma_start3A_30 = arith.constant 0 : i32
      %dma_start3A_31 = tpu.memref_slice %arg6[%mul3A_2, %dma_start3A_30] : memref<10000x80xf32, #tpu.memory_space<hbm>> -> memref<624x80xf32, #tpu.memory_space<hbm>>
      tpu.enqueue_dma source(%dma_start3A_31 : memref<624x80xf32, #tpu.memory_space<hbm>>) target(%dma_start3A_29 : memref<624x80xf32, #tpu.memory_space<vmem_shared>>) target_semaphore(%run_scoped3A : memref<!tpu.dma_semaphore, #tpu.memory_space<semaphore_mem>>)
      %dma_wait3A = arith.constant 0 : i32
      %dma_wait3A_32 = tpu.memref_slice %arg14[%mul3A_2, %dma_wait3A] : memref<10000x80xf32, #tpu.memory_space<vmem_shared>> -> memref<624x80xf32, #tpu.memory_space<vmem_shared>>
      %dma_wait3A_33 = arith.constant 0 : i32
      %dma_wait3A_34 = tpu.memref_slice %arg6[%mul3A_2, %dma_wait3A_33] : memref<10000x80xf32, #tpu.memory_space<hbm>> -> memref<624x80xf32, #tpu.memory_space<hbm>>
      tpu.wait_dma2 semaphore(%run_scoped3A : memref<!tpu.dma_semaphore, #tpu.memory_space<semaphore_mem>>) src(%dma_wait3A_34 : memref<624x80xf32, #tpu.memory_space<hbm>>) dst(%dma_wait3A_32 : memref<624x80xf32, #tpu.memory_space<vmem_shared>>)
      tpu.yield
    }) : () -> ()
    %eq3A = arith.constant 0 : i32
    %eq3A_3 = arith.cmpi eq, %arg1, %eq3A : i32
    %convert_element_type3A = arith.extui %eq3A_3 : i1 to i32
    %cond3A = arith.constant 0 : i32
    %cond3A_4 = arith.cmpi ne, %convert_element_type3A, %cond3A : i32
    scf.if %cond3A_4 {
      "tpu.region"() ({
        %run_scoped3A = tpu.sem_alloc : memref<!tpu.dma_semaphore, #tpu.memory_space<semaphore_mem>>
        %dma_start3A = arith.constant 9984 : i32
        %dma_start3A_29 = arith.constant 0 : i32
        %dma_start3A_30 = tpu.memref_slice %arg14[%dma_start3A, %dma_start3A_29] : memref<10000x80xf32, #tpu.memory_space<vmem_shared>> -> memref<16x80xf32, #tpu.memory_space<vmem_shared>>
        %dma_start3A_31 = arith.constant 9984 : i32
        %dma_start3A_32 = arith.constant 0 : i32
        %dma_start3A_33 = tpu.memref_slice %arg6[%dma_start3A_31, %dma_start3A_32] : memref<10000x80xf32, #tpu.memory_space<hbm>> -> memref<16x80xf32, #tpu.memory_space<hbm>>
        tpu.enqueue_dma source(%dma_start3A_33 : memref<16x80xf32, #tpu.memory_space<hbm>>) target(%dma_start3A_30 : memref<16x80xf32, #tpu.memory_space<vmem_shared>>) target_semaphore(%run_scoped3A : memref<!tpu.dma_semaphore, #tpu.memory_space<semaphore_mem>>)
        %dma_wait3A = arith.constant 9984 : i32
        %dma_wait3A_34 = arith.constant 0 : i32
        %dma_wait3A_35 = tpu.memref_slice %arg14[%dma_wait3A, %dma_wait3A_34] : memref<10000x80xf32, #tpu.memory_space<vmem_shared>> -> memref<16x80xf32, #tpu.memory_space<vmem_shared>>
        %dma_wait3A_36 = arith.constant 9984 : i32
        %dma_wait3A_37 = arith.constant 0 : i32
        %dma_wait3A_38 = tpu.memref_slice %arg6[%dma_wait3A_36, %dma_wait3A_37] : memref<10000x80xf32, #tpu.memory_space<hbm>> -> memref<16x80xf32, #tpu.memory_space<hbm>>
        tpu.wait_dma2 semaphore(%run_scoped3A : memref<!tpu.dma_semaphore, #tpu.memory_space<semaphore_mem>>) src(%dma_wait3A_38 : memref<16x80xf32, #tpu.memory_space<hbm>>) dst(%dma_wait3A_35 : memref<16x80xf32, #tpu.memory_space<vmem_shared>>)
        tpu.yield
      }) : () -> ()
    } else {
    }
    %broadcast_in_dim3A = arith.constant 0.000000e+00 : f32
    %broadcast_in_dim3A_5 = vector.broadcast %broadcast_in_dim3A : f32 to vector<16xf32>
    %scan3A = arith.constant 0 : i32
    %scan3A_6 = arith.constant 0 : i32
    %scan3A_7 = arith.constant 80 : i32
    %scan3A_8 = arith.addi %scan3A_6, %scan3A_7 : i32
    %scan3A_9 = arith.constant 1 : i32
    scf.for %scan3A_29 = %scan3A_6 to %scan3A_8 step %scan3A_9  : i32 {
      %swap3A = arith.index_cast %scan3A_29 : i32 to index
      %swap3A_30 = arith.constant 64 : index
      %swap3A_31 = tpu.vector_load %arg12[%swap3A, %swap3A_30] {strides = array<i32>} : memref<80x80xf32, #tpu.memory_space<vmem>>, vector<16xf32>,
      tpu.vector_store %arg12[%swap3A, %swap3A_30], %broadcast_in_dim3A_5 {strides = array<i32>} : memref<80x80xf32, #tpu.memory_space<vmem>>, vector<16xf32>,
    }
    %scan3A_10 = arith.constant 80 : i32
    %barrier3A = arith.constant 0 : index
    tpu.barrier barrier_id(%barrier3A)
    %iota3A = tpu.iota {dimensions = array<i32: 0>} : vector<16xi32>
    %and3A = arith.constant 7 : i32
    %and3A_11 = vector.broadcast %and3A : i32 to vector<16xi32>
    %and3A_12 = arith.andi %iota3A, %and3A_11 : vector<16xi32>
    %shift_right_arithmetic3A = arith.constant 3 : i32
    %shift_right_arithmetic3A_13 = vector.broadcast %shift_right_arithmetic3A : i32 to vector<16xi32>
    %shift_right_arithmetic3A_14 = arith.shrsi %iota3A, %shift_right_arithmetic3A_13 : vector<16xi32>
    %mul3A_15 = arith.constant 10000 : i32
    %mul3A_16 = arith.muli %add3A, %mul3A_15 : i32
    %scan3A_17 = arith.constant 0 : i32
    %scan3A_18 = arith.constant 0 : i32
    %scan3A_19 = arith.constant 125 : i32
    %scan3A_20 = arith.addi %scan3A_18, %scan3A_19 : i32
    %scan3A_21 = arith.constant 1 : i32
    scf.for %scan3A_29 = %scan3A_18 to %scan3A_20 step %scan3A_21  : i32 {
      %mul3A_30 = arith.constant 80 : i32
      %mul3A_31 = arith.muli %scan3A_29, %mul3A_30 : i32
      %add3A_32 = arith.addi %mul3A_16, %mul3A_31 : i32
      "tpu.region"() ({
        %run_scoped3A = tpu.sem_alloc : memref<!tpu.dma_semaphore, #tpu.memory_space<semaphore_mem>>
        %dma_start3A_49 = tpu.memref_slice %arg2[%add3A_32] : memref<320000xi32, #tpu.memory_space<hbm>> -> memref<80xi32, #tpu.memory_space<hbm>>
        %dma_start3A_50 = tpu.memref_slice %arg2[%add3A_32] : memref<320000xi32, #tpu.memory_space<hbm>> -> memref<80xi32, #tpu.memory_space<hbm>>
        tpu.enqueue_dma source(%dma_start3A_50 : memref<80xi32, #tpu.memory_space<hbm>>) target(%arg8 : memref<80xi32, #tpu.memory_space<vmem>>) target_semaphore(%run_scoped3A : memref<!tpu.dma_semaphore, #tpu.memory_space<semaphore_mem>>)
        %dma_wait3A_51 = tpu.memref_slice %arg2[%add3A_32] : memref<320000xi32, #tpu.memory_space<hbm>> -> memref<80xi32, #tpu.memory_space<hbm>>
        %dma_wait3A_52 = tpu.memref_slice %arg2[%add3A_32] : memref<320000xi32, #tpu.memory_space<hbm>> -> memref<80xi32, #tpu.memory_space<hbm>>
        tpu.wait_dma2 semaphore(%run_scoped3A : memref<!tpu.dma_semaphore, #tpu.memory_space<semaphore_mem>>) src(%dma_wait3A_52 : memref<80xi32, #tpu.memory_space<hbm>>) dst(%arg8 : memref<80xi32, #tpu.memory_space<vmem>>)
        tpu.yield
      }) : () -> ()
      "tpu.region"() ({
        %run_scoped3A = tpu.sem_alloc : memref<!tpu.dma_semaphore, #tpu.memory_space<semaphore_mem>>
        %dma_start3A_49 = tpu.memref_slice %arg3[%add3A_32] : memref<320000xi32, #tpu.memory_space<hbm>> -> memref<80xi32, #tpu.memory_space<hbm>>
        %dma_start3A_50 = tpu.memref_slice %arg3[%add3A_32] : memref<320000xi32, #tpu.memory_space<hbm>> -> memref<80xi32, #tpu.memory_space<hbm>>
        tpu.enqueue_dma source(%dma_start3A_50 : memref<80xi32, #tpu.memory_space<hbm>>) target(%arg9 : memref<80xi32, #tpu.memory_space<vmem>>) target_semaphore(%run_scoped3A : memref<!tpu.dma_semaphore, #tpu.memory_space<semaphore_mem>>)
        %dma_wait3A_51 = tpu.memref_slice %arg3[%add3A_32] : memref<320000xi32, #tpu.memory_space<hbm>> -> memref<80xi32, #tpu.memory_space<hbm>>
        %dma_wait3A_52 = tpu.memref_slice %arg3[%add3A_32] : memref<320000xi32, #tpu.memory_space<hbm>> -> memref<80xi32, #tpu.memory_space<hbm>>
        tpu.wait_dma2 semaphore(%run_scoped3A : memref<!tpu.dma_semaphore, #tpu.memory_space<semaphore_mem>>) src(%dma_wait3A_52 : memref<80xi32, #tpu.memory_space<hbm>>) dst(%arg9 : memref<80xi32, #tpu.memory_space<vmem>>)
        tpu.yield
      }) : () -> ()
      %dma_start3A = arith.constant 0 : i32
      %dma_start3A_33 = arith.constant 0 : i32
      %dma_start3A_34 = tpu.memref_slice %arg4[%dma_start3A, %dma_start3A_33] : memref<10000x80xf32, #tpu.memory_space<hbm>> -> memref<10000x80xf32, #tpu.memory_space<hbm>>
      tpu.enqueue_indirect_dma source(%dma_start3A_34 : memref<10000x80xf32, #tpu.memory_space<hbm>>) target(%arg10 : memref<80x80xf32, #tpu.memory_space<vmem>>) offsets(%arg8 : memref<80xi32, #tpu.memory_space<vmem>>) semaphore(%arg15 : memref<!tpu.dma_semaphore, #tpu.memory_space<semaphore_mem>>)
      %dma_start3A_35 = arith.constant 0 : i32
      %dma_start3A_36 = arith.constant 0 : i32
      %dma_start3A_37 = tpu.memref_slice %arg5[%dma_start3A_35, %dma_start3A_36] : memref<10000x8xf32, #tpu.memory_space<hbm>> -> memref<10000x8xf32, #tpu.memory_space<hbm>>
      tpu.enqueue_indirect_dma source(%dma_start3A_37 : memref<10000x8xf32, #tpu.memory_space<hbm>>) target(%arg11 : memref<80x8xf32, #tpu.memory_space<vmem>>) offsets(%arg9 : memref<80xi32, #tpu.memory_space<vmem>>) semaphore(%arg16 : memref<!tpu.dma_semaphore, #tpu.memory_space<semaphore_mem>>)
      %dma_wait3A = arith.constant 0 : i32
      %dma_wait3A_38 = arith.constant 0 : i32
      %dma_wait3A_39 = tpu.memref_slice %arg4[%dma_wait3A, %dma_wait3A_38] : memref<10000x80xf32, #tpu.memory_space<hbm>> -> memref<10000x80xf32, #tpu.memory_space<hbm>>
      tpu.wait_indirect_dma semaphore(%arg15 : memref<!tpu.dma_semaphore, #tpu.memory_space<semaphore_mem>>) src(%dma_wait3A_39 : memref<10000x80xf32, #tpu.memory_space<hbm>>) dst(%arg10 : memref<80x80xf32, #tpu.memory_space<vmem>>)
      %dma_wait3A_40 = arith.constant 0 : i32
      %dma_wait3A_41 = arith.constant 0 : i32
      %dma_wait3A_42 = tpu.memref_slice %arg5[%dma_wait3A_40, %dma_wait3A_41] : memref<10000x8xf32, #tpu.memory_space<hbm>> -> memref<10000x8xf32, #tpu.memory_space<hbm>>
      tpu.wait_indirect_dma semaphore(%arg16 : memref<!tpu.dma_semaphore, #tpu.memory_space<semaphore_mem>>) src(%dma_wait3A_42 : memref<10000x8xf32, #tpu.memory_space<hbm>>) dst(%arg11 : memref<80x8xf32, #tpu.memory_space<vmem>>)
      %scan3A_43 = arith.constant 0 : i32
      %scan3A_44 = arith.constant 0 : i32
      %scan3A_45 = arith.constant 40 : i32
      %scan3A_46 = arith.addi %scan3A_44, %scan3A_45 : i32
      %scan3A_47 = arith.constant 1 : i32
      scf.for %scan3A_49 = %scan3A_44 to %scan3A_46 step %scan3A_47  : i32 {
        %mul3A_50 = arith.constant 2 : i32
        %mul3A_51 = arith.muli %mul3A_50, %scan3A_49 : i32
        %add3A_52 = vector.broadcast %mul3A_51 : i32 to vector<16xi32>
        %add3A_53 = arith.addi %add3A_52, %shift_right_arithmetic3A_14 : vector<16xi32>
        %gather3A = tpu.vector_load_idx %arg10[%add3A_53, %and3A_12] : memref<80x80xf32, #tpu.memory_space<vmem>>[vector<16xi32>, vector<16xi32>], vector<16xf32>,
        %gather3A_54 = tpu.vector_load_idx %arg11[%add3A_53, %and3A_12] : memref<80x8xf32, #tpu.memory_space<vmem>>[vector<16xi32>, vector<16xi32>], vector<16xf32>,
        %add3A_55 = arith.addf %gather3A, %gather3A_54 : vector<16xf32>
        %mul3A_56 = arith.constant 2.000000e-01 : f32
        %mul3A_57 = vector.broadcast %mul3A_56 : f32 to vector<16xf32>
        %mul3A_58 = arith.mulf %mul3A_57, %add3A_55 : vector<16xf32>
        %max3A = arith.maximumf %add3A_55, %mul3A_58 : vector<16xf32>
        %exp3A = math.exp %max3A : vector<16xf32>
        %swap3A = arith.constant 0 : index
        %swap3A_59 = tpu.vector_load %arg13[%swap3A] {strides = array<i32>} : memref<16xf32, #tpu.memory_space<vmem>>, vector<16xf32>,
        tpu.vector_store %arg13[%swap3A], %exp3A {strides = array<i32>} : memref<16xf32, #tpu.memory_space<vmem>>, vector<16xf32>,
        tpu.vector_store_idx %arg12[%add3A_53, %and3A_12], %exp3A : memref<80x80xf32, #tpu.memory_space<vmem>>[vector<16xi32>, vector<16xi32>], vector<16xf32>,
        %add3A_60 = arith.constant 0 : i32
        %add3A_61 = vector.broadcast %add3A_60 : i32 to vector<16xi32>
        %add3A_62 = arith.addi %shift_right_arithmetic3A_14, %add3A_61 : vector<16xi32>
        %add3A_63 = arith.constant 8 : i32
        %add3A_64 = vector.broadcast %add3A_63 : i32 to vector<16xi32>
        %add3A_65 = arith.addi %add3A_62, %add3A_64 : vector<16xi32>
        %gather3A_66 = tpu.vector_load_idx %arg13[%add3A_62] : memref<16xf32, #tpu.memory_space<vmem>>[vector<16xi32>], vector<16xf32>,
        %gather3A_67 = tpu.vector_load_idx %arg13[%add3A_65] : memref<16xf32, #tpu.memory_space<vmem>>[vector<16xi32>], vector<16xf32>,
        %get3A = arith.index_cast %mul3A_51 : i32 to index
        %get3A_68 = arith.constant 8 : index
        %get3A_69 = tpu.vector_load %arg10[%get3A, %get3A_68] {strides = array<i32>} : memref<80x80xf32, #tpu.memory_space<vmem>>, vector<16xf32>,
        %add3A_70 = arith.constant 1 : i32
        %add3A_71 = arith.addi %mul3A_51, %add3A_70 : i32
        %get3A_72 = arith.index_cast %add3A_71 : i32 to index
        %get3A_73 = arith.constant 8 : index
        %get3A_74 = tpu.vector_load %arg10[%get3A_72, %get3A_73] {strides = array<i32>} : memref<80x80xf32, #tpu.memory_space<vmem>>, vector<16xf32>,
        %mul3A_75 = arith.mulf %get3A_69, %gather3A_66 : vector<16xf32>
        %swap3A_76 = arith.index_cast %mul3A_51 : i32 to index
        %swap3A_77 = arith.constant 8 : index
        %swap3A_78 = tpu.vector_load %arg12[%swap3A_76, %swap3A_77] {strides = array<i32>} : memref<80x80xf32, #tpu.memory_space<vmem>>, vector<16xf32>,
        tpu.vector_store %arg12[%swap3A_76, %swap3A_77], %mul3A_75 {strides = array<i32>} : memref<80x80xf32, #tpu.memory_space<vmem>>, vector<16xf32>,
        %mul3A_79 = arith.mulf %get3A_74, %gather3A_67 : vector<16xf32>
        %add3A_80 = arith.constant 1 : i32
        %add3A_81 = arith.addi %mul3A_51, %add3A_80 : i32
        %swap3A_82 = arith.index_cast %add3A_81 : i32 to index
        %swap3A_83 = arith.constant 8 : index
        %swap3A_84 = tpu.vector_load %arg12[%swap3A_82, %swap3A_83] {strides = array<i32>} : memref<80x80xf32, #tpu.memory_space<vmem>>, vector<16xf32>,
        tpu.vector_store %arg12[%swap3A_82, %swap3A_83], %mul3A_79 {strides = array<i32>} : memref<80x80xf32, #tpu.memory_space<vmem>>, vector<16xf32>,
        %add3A_85 = arith.constant 2 : i32
        %add3A_86 = vector.broadcast %add3A_85 : i32 to vector<16xi32>
        %add3A_87 = arith.addi %shift_right_arithmetic3A_14, %add3A_86 : vector<16xi32>
        %add3A_88 = arith.constant 8 : i32
        %add3A_89 = vector.broadcast %add3A_88 : i32 to vector<16xi32>
        %add3A_90 = arith.addi %add3A_87, %add3A_89 : vector<16xi32>
        %gather3A_91 = tpu.vector_load_idx %arg13[%add3A_87] : memref<16xf32, #tpu.memory_space<vmem>>[vector<16xi32>], vector<16xf32>,
        %gather3A_92 = tpu.vector_load_idx %arg13[%add3A_90] : memref<16xf32, #tpu.memory_space<vmem>>[vector<16xi32>], vector<16xf32>,
        %get3A_93 = arith.index_cast %mul3A_51 : i32 to index
        %get3A_94 = arith.constant 24 : index
        %get3A_95 = tpu.vector_load %arg10[%get3A_93, %get3A_94] {strides = array<i32>} : memref<80x80xf32, #tpu.memory_space<vmem>>, vector<16xf32>,
        %add3A_96 = arith.constant 1 : i32
        %add3A_97 = arith.addi %mul3A_51, %add3A_96 : i32
        %get3A_98 = arith.index_cast %add3A_97 : i32 to index
        %get3A_99 = arith.constant 24 : index
        %get3A_100 = tpu.vector_load %arg10[%get3A_98, %get3A_99] {strides = array<i32>} : memref<80x80xf32, #tpu.memory_space<vmem>>, vector<16xf32>,
        %mul3A_101 = arith.mulf %get3A_95, %gather3A_91 : vector<16xf32>
        %swap3A_102 = arith.index_cast %mul3A_51 : i32 to index
        %swap3A_103 = arith.constant 24 : index
        %swap3A_104 = tpu.vector_load %arg12[%swap3A_102, %swap3A_103] {strides = array<i32>} : memref<80x80xf32, #tpu.memory_space<vmem>>, vector<16xf32>,
        tpu.vector_store %arg12[%swap3A_102, %swap3A_103], %mul3A_101 {strides = array<i32>} : memref<80x80xf32, #tpu.memory_space<vmem>>, vector<16xf32>,
        %mul3A_105 = arith.mulf %get3A_100, %gather3A_92 : vector<16xf32>
        %add3A_106 = arith.constant 1 : i32
        %add3A_107 = arith.addi %mul3A_51, %add3A_106 : i32
        %swap3A_108 = arith.index_cast %add3A_107 : i32 to index
        %swap3A_109 = arith.constant 24 : index
        %swap3A_110 = tpu.vector_load %arg12[%swap3A_108, %swap3A_109] {strides = array<i32>} : memref<80x80xf32, #tpu.memory_space<vmem>>, vector<16xf32>,
        tpu.vector_store %arg12[%swap3A_108, %swap3A_109], %mul3A_105 {strides = array<i32>} : memref<80x80xf32, #tpu.memory_space<vmem>>, vector<16xf32>,
        %add3A_111 = arith.constant 4 : i32
        %add3A_112 = vector.broadcast %add3A_111 : i32 to vector<16xi32>
        %add3A_113 = arith.addi %shift_right_arithmetic3A_14, %add3A_112 : vector<16xi32>
        %add3A_114 = arith.constant 8 : i32
        %add3A_115 = vector.broadcast %add3A_114 : i32 to vector<16xi32>
        %add3A_116 = arith.addi %add3A_113, %add3A_115 : vector<16xi32>
        %gather3A_117 = tpu.vector_load_idx %arg13[%add3A_113] : memref<16xf32, #tpu.memory_space<vmem>>[vector<16xi32>], vector<16xf32>,
        %gather3A_118 = tpu.vector_load_idx %arg13[%add3A_116] : memref<16xf32, #tpu.memory_space<vmem>>[vector<16xi32>], vector<16xf32>,
        %get3A_119 = arith.index_cast %mul3A_51 : i32 to index
        %get3A_120 = arith.constant 40 : index
        %get3A_121 = tpu.vector_load %arg10[%get3A_119, %get3A_120] {strides = array<i32>} : memref<80x80xf32, #tpu.memory_space<vmem>>, vector<16xf32>,
        %add3A_122 = arith.constant 1 : i32
        %add3A_123 = arith.addi %mul3A_51, %add3A_122 : i32
        %get3A_124 = arith.index_cast %add3A_123 : i32 to index
        %get3A_125 = arith.constant 40 : index
        %get3A_126 = tpu.vector_load %arg10[%get3A_124, %get3A_125] {strides = array<i32>} : memref<80x80xf32, #tpu.memory_space<vmem>>, vector<16xf32>,
        %mul3A_127 = arith.mulf %get3A_121, %gather3A_117 : vector<16xf32>
        %swap3A_128 = arith.index_cast %mul3A_51 : i32 to index
        %swap3A_129 = arith.constant 40 : index
        %swap3A_130 = tpu.vector_load %arg12[%swap3A_128, %swap3A_129] {strides = array<i32>} : memref<80x80xf32, #tpu.memory_space<vmem>>, vector<16xf32>,
        tpu.vector_store %arg12[%swap3A_128, %swap3A_129], %mul3A_127 {strides = array<i32>} : memref<80x80xf32, #tpu.memory_space<vmem>>, vector<16xf32>,
        %mul3A_131 = arith.mulf %get3A_126, %gather3A_118 : vector<16xf32>
        %add3A_132 = arith.constant 1 : i32
        %add3A_133 = arith.addi %mul3A_51, %add3A_132 : i32
        %swap3A_134 = arith.index_cast %add3A_133 : i32 to index
        %swap3A_135 = arith.constant 40 : index
        %swap3A_136 = tpu.vector_load %arg12[%swap3A_134, %swap3A_135] {strides = array<i32>} : memref<80x80xf32, #tpu.memory_space<vmem>>, vector<16xf32>,
        tpu.vector_store %arg12[%swap3A_134, %swap3A_135], %mul3A_131 {strides = array<i32>} : memref<80x80xf32, #tpu.memory_space<vmem>>, vector<16xf32>,
        %add3A_137 = arith.constant 6 : i32
        %add3A_138 = vector.broadcast %add3A_137 : i32 to vector<16xi32>
        %add3A_139 = arith.addi %shift_right_arithmetic3A_14, %add3A_138 : vector<16xi32>
        %add3A_140 = arith.constant 8 : i32
        %add3A_141 = vector.broadcast %add3A_140 : i32 to vector<16xi32>
        %add3A_142 = arith.addi %add3A_139, %add3A_141 : vector<16xi32>
        %gather3A_143 = tpu.vector_load_idx %arg13[%add3A_139] : memref<16xf32, #tpu.memory_space<vmem>>[vector<16xi32>], vector<16xf32>,
        %gather3A_144 = tpu.vector_load_idx %arg13[%add3A_142] : memref<16xf32, #tpu.memory_space<vmem>>[vector<16xi32>], vector<16xf32>,
        %get3A_145 = arith.index_cast %mul3A_51 : i32 to index
        %get3A_146 = arith.constant 56 : index
        %get3A_147 = tpu.vector_load %arg10[%get3A_145, %get3A_146] {strides = array<i32>} : memref<80x80xf32, #tpu.memory_space<vmem>>, vector<16xf32>,
        %add3A_148 = arith.constant 1 : i32
        %add3A_149 = arith.addi %mul3A_51, %add3A_148 : i32
        %get3A_150 = arith.index_cast %add3A_149 : i32 to index
        %get3A_151 = arith.constant 56 : index
        %get3A_152 = tpu.vector_load %arg10[%get3A_150, %get3A_151] {strides = array<i32>} : memref<80x80xf32, #tpu.memory_space<vmem>>, vector<16xf32>,
        %mul3A_153 = arith.mulf %get3A_147, %gather3A_143 : vector<16xf32>
        %swap3A_154 = arith.index_cast %mul3A_51 : i32 to index
        %swap3A_155 = arith.constant 56 : index
        %swap3A_156 = tpu.vector_load %arg12[%swap3A_154, %swap3A_155] {strides = array<i32>} : memref<80x80xf32, #tpu.memory_space<vmem>>, vector<16xf32>,
        tpu.vector_store %arg12[%swap3A_154, %swap3A_155], %mul3A_153 {strides = array<i32>} : memref<80x80xf32, #tpu.memory_space<vmem>>, vector<16xf32>,
        %mul3A_157 = arith.mulf %get3A_152, %gather3A_144 : vector<16xf32>
        %add3A_158 = arith.constant 1 : i32
        %add3A_159 = arith.addi %mul3A_51, %add3A_158 : i32
        %swap3A_160 = arith.index_cast %add3A_159 : i32 to index
        %swap3A_161 = arith.constant 56 : index
        %swap3A_162 = tpu.vector_load %arg12[%swap3A_160, %swap3A_161] {strides = array<i32>} : memref<80x80xf32, #tpu.memory_space<vmem>>, vector<16xf32>,
        tpu.vector_store %arg12[%swap3A_160, %swap3A_161], %mul3A_157 {strides = array<i32>} : memref<80x80xf32, #tpu.memory_space<vmem>>, vector<16xf32>,
      }
      %scan3A_48 = arith.constant 40 : i32
      "tpu.region"() ({
        %run_scoped3A = tpu.sem_alloc : memref<!tpu.dma_semaphore, #tpu.memory_space<semaphore_mem>>
        %dma_start3A_49 = arith.constant 0 : i32
        %dma_start3A_50 = arith.constant 0 : i32
        %dma_start3A_51 = tpu.memref_slice %arg14[%dma_start3A_49, %dma_start3A_50] : memref<10000x80xf32, #tpu.memory_space<vmem_shared>> -> memref<10000x80xf32, #tpu.memory_space<vmem_shared>>
        tpu.enqueue_indirect_dma source(%arg12 : memref<80x80xf32, #tpu.memory_space<vmem>>) target(%dma_start3A_51 : memref<10000x80xf32, #tpu.memory_space<vmem_shared>>) offsets(%arg9 : memref<80xi32, #tpu.memory_space<vmem>>) semaphore(%run_scoped3A : memref<!tpu.dma_semaphore, #tpu.memory_space<semaphore_mem>>) {add = true}
        %dma_wait3A_52 = arith.constant 0 : i32
        %dma_wait3A_53 = arith.constant 0 : i32
        %dma_wait3A_54 = tpu.memref_slice %arg14[%dma_wait3A_52, %dma_wait3A_53] : memref<10000x80xf32, #tpu.memory_space<vmem_shared>> -> memref<10000x80xf32, #tpu.memory_space<vmem_shared>>
        tpu.wait_indirect_dma semaphore(%run_scoped3A : memref<!tpu.dma_semaphore, #tpu.memory_space<semaphore_mem>>) src(%arg12 : memref<80x80xf32, #tpu.memory_space<vmem>>) dst(%dma_wait3A_54 : memref<10000x80xf32, #tpu.memory_space<vmem_shared>>)
        tpu.yield
      }) : () -> ()
    }
    %scan3A_22 = arith.constant 125 : i32
    %barrier3A_23 = arith.constant 0 : index
    tpu.barrier barrier_id(%barrier3A_23)
    "tpu.region"() ({
      %run_scoped3A = tpu.sem_alloc : memref<!tpu.dma_semaphore, #tpu.memory_space<semaphore_mem>>
      %dma_start3A = arith.constant 0 : i32
      %dma_start3A_29 = tpu.memref_slice %arg7[%arg0, %mul3A_2, %dma_start3A] : memref<2x10000x80xf32, #tpu.memory_space<hbm>> -> memref<1x624x80xf32, #tpu.memory_space<hbm>>
      %dma_start3A_30 = tpu.memref_squeeze %dma_start3A_29 : memref<1x624x80xf32, #tpu.memory_space<hbm>> -> memref<624x80xf32, #tpu.memory_space<hbm>>
      %dma_start3A_31 = arith.constant 0 : i32
      %dma_start3A_32 = tpu.memref_slice %arg14[%mul3A_2, %dma_start3A_31] : memref<10000x80xf32, #tpu.memory_space<vmem_shared>> -> memref<624x80xf32, #tpu.memory_space<vmem_shared>>
      tpu.enqueue_dma source(%dma_start3A_32 : memref<624x80xf32, #tpu.memory_space<vmem_shared>>) target(%dma_start3A_30 : memref<624x80xf32, #tpu.memory_space<hbm>>) target_semaphore(%run_scoped3A : memref<!tpu.dma_semaphore, #tpu.memory_space<semaphore_mem>>)
      %dma_wait3A = arith.constant 0 : i32
      %dma_wait3A_33 = tpu.memref_slice %arg7[%arg0, %mul3A_2, %dma_wait3A] : memref<2x10000x80xf32, #tpu.memory_space<hbm>> -> memref<1x624x80xf32, #tpu.memory_space<hbm>>
      %dma_wait3A_34 = tpu.memref_squeeze %dma_wait3A_33 : memref<1x624x80xf32, #tpu.memory_space<hbm>> -> memref<624x80xf32, #tpu.memory_space<hbm>>
      %dma_wait3A_35 = arith.constant 0 : i32
      %dma_wait3A_36 = tpu.memref_slice %arg14[%mul3A_2, %dma_wait3A_35] : memref<10000x80xf32, #tpu.memory_space<vmem_shared>> -> memref<624x80xf32, #tpu.memory_space<vmem_shared>>
      tpu.wait_dma2 semaphore(%run_scoped3A : memref<!tpu.dma_semaphore, #tpu.memory_space<semaphore_mem>>) src(%dma_wait3A_36 : memref<624x80xf32, #tpu.memory_space<vmem_shared>>) dst(%dma_wait3A_34 : memref<624x80xf32, #tpu.memory_space<hbm>>)
      tpu.yield
    }) : () -> ()
    %eq3A_24 = arith.constant 0 : i32
    %eq3A_25 = arith.cmpi eq, %arg1, %eq3A_24 : i32
    %convert_element_type3A_26 = arith.extui %eq3A_25 : i1 to i32
    %cond3A_27 = arith.constant 0 : i32
    %cond3A_28 = arith.cmpi ne, %convert_element_type3A_26, %cond3A_27 : i32
    scf.if %cond3A_28 {
      "tpu.region"() ({
        %run_scoped3A = tpu.sem_alloc : memref<!tpu.dma_semaphore, #tpu.memory_space<semaphore_mem>>
        %dma_start3A = arith.constant 9984 : i32
        %dma_start3A_29 = arith.constant 0 : i32
        %dma_start3A_30 = tpu.memref_slice %arg7[%arg0, %dma_start3A, %dma_start3A_29] : memref<2x10000x80xf32, #tpu.memory_space<hbm>> -> memref<1x16x80xf32, #tpu.memory_space<hbm>>
        %dma_start3A_31 = tpu.memref_squeeze %dma_start3A_30 : memref<1x16x80xf32, #tpu.memory_space<hbm>> -> memref<16x80xf32, #tpu.memory_space<hbm>>
        %dma_start3A_32 = arith.constant 9984 : i32
        %dma_start3A_33 = arith.constant 0 : i32
        %dma_start3A_34 = tpu.memref_slice %arg14[%dma_start3A_32, %dma_start3A_33] : memref<10000x80xf32, #tpu.memory_space<vmem_shared>> -> memref<16x80xf32, #tpu.memory_space<vmem_shared>>
        tpu.enqueue_dma source(%dma_start3A_34 : memref<16x80xf32, #tpu.memory_space<vmem_shared>>) target(%dma_start3A_31 : memref<16x80xf32, #tpu.memory_space<hbm>>) target_semaphore(%run_scoped3A : memref<!tpu.dma_semaphore, #tpu.memory_space<semaphore_mem>>)
        %dma_wait3A = arith.constant 9984 : i32
        %dma_wait3A_35 = arith.constant 0 : i32
        %dma_wait3A_36 = tpu.memref_slice %arg7[%arg0, %dma_wait3A, %dma_wait3A_35] : memref<2x10000x80xf32, #tpu.memory_space<hbm>> -> memref<1x16x80xf32, #tpu.memory_space<hbm>>
        %dma_wait3A_37 = tpu.memref_squeeze %dma_wait3A_36 : memref<1x16x80xf32, #tpu.memory_space<hbm>> -> memref<16x80xf32, #tpu.memory_space<hbm>>
        %dma_wait3A_38 = arith.constant 9984 : i32
        %dma_wait3A_39 = arith.constant 0 : i32
        %dma_wait3A_40 = tpu.memref_slice %arg14[%dma_wait3A_38, %dma_wait3A_39] : memref<10000x80xf32, #tpu.memory_space<vmem_shared>> -> memref<16x80xf32, #tpu.memory_space<vmem_shared>>
        tpu.wait_dma2 semaphore(%run_scoped3A : memref<!tpu.dma_semaphore, #tpu.memory_space<semaphore_mem>>) src(%dma_wait3A_40 : memref<16x80xf32, #tpu.memory_space<vmem_shared>>) dst(%dma_wait3A_37 : memref<16x80xf32, #tpu.memory_space<hbm>>)
        tpu.yield
      }) : () -> ()
    } else {
    }
    return
  }
}

module attributes {stable_mosaic.version = 14 : i64} {
  func.func @_tc_pre_body(%arg0: i32, %arg1: memref<400x128xf32, #tpu.memory_space<vmem>>, %arg2: memref<128x80xf32, #tpu.memory_space<vmem>>, %arg3: memref<1x80xf32, #tpu.memory_space<vmem>>, %arg4: memref<128x8xf32, #tpu.memory_space<vmem>>, %arg5: memref<1x8xf32, #tpu.memory_space<vmem>>, %arg6: memref<400x80xf32, #tpu.memory_space<vmem>>, %arg7: memref<400x8xf32, #tpu.memory_space<vmem>>) attributes {dimension_semantics = [#tpu.dimension_semantics<arbitrary>], iteration_bounds = array<i64: 25>, scalar_prefetch = 0 : i64, scratch_operands = 0 : i64, tpu.core_type = #tpu.core_type<tc>, window_params = [{transform_indices = @transform_0, window_bounds = array<i64: 400, 128>}, {pipeline_mode = #tpu.pipeline_mode<synchronous>, transform_indices = @transform_1, window_bounds = array<i64: 128, 80>}, {pipeline_mode = #tpu.pipeline_mode<synchronous>, transform_indices = @transform_2, window_bounds = array<i64: 1, 80>}, {pipeline_mode = #tpu.pipeline_mode<synchronous>, transform_indices = @transform_3, window_bounds = array<i64: 128, 8>}, {pipeline_mode = #tpu.pipeline_mode<synchronous>, transform_indices = @transform_4, window_bounds = array<i64: 1, 8>}, {transform_indices = @transform_5, window_bounds = array<i64: 400, 80>}, {transform_indices = @transform_6, window_bounds = array<i64: 400, 8>}]} {
    %get3A = arith.constant 0 : index
    %get3A_0 = arith.constant 0 : index
    %get3A_1 = vector.load %arg1[%get3A, %get3A_0] : memref<400x128xf32, #tpu.memory_space<vmem>>, vector<400x128xf32>
    %get3A_2 = arith.constant 0 : index
    %get3A_3 = arith.constant 0 : index
    %get3A_4 = vector.load %arg2[%get3A_2, %get3A_3] : memref<128x80xf32, #tpu.memory_space<vmem>>, vector<128x80xf32>
    %dot_general3A = arith.constant dense<0.000000e+00> : vector<400x80xf32>
    %dot_general3A_5 = tpu.matmul %get3A_1, %get3A_4, %dot_general3A {dimension_numbers = #tpu.dot_dimension_numbers<[1], [0], [0], [1], [0, 0, 1, 1], [], []>, transpose_lhs_hint = false} : vector<400x128xf32>, vector<128x80xf32>, vector<400x80xf32> -> vector<400x80xf32>
    %get3A_6 = arith.constant 0 : index
    %get3A_7 = arith.constant 0 : index
    %get3A_8 = vector.load %arg3[%get3A_6, %get3A_7] : memref<1x80xf32, #tpu.memory_space<vmem>>, vector<1x80xf32>
    %add3A = vector.broadcast %get3A_8 : vector<1x80xf32> to vector<400x80xf32>
    %add3A_9 = arith.addf %dot_general3A_5, %add3A : vector<400x80xf32>
    %swap3A = arith.constant 0 : index
    %swap3A_10 = arith.constant 0 : index
    %swap3A_11 = vector.load %arg6[%swap3A, %swap3A_10] : memref<400x80xf32, #tpu.memory_space<vmem>>, vector<400x80xf32>
    tpu.vector_store %arg6[%swap3A, %swap3A_10], %add3A_9 {strides = array<i32>} : memref<400x80xf32, #tpu.memory_space<vmem>>, vector<400x80xf32>,
    %get3A_12 = arith.constant 0 : index
    %get3A_13 = arith.constant 0 : index
    %get3A_14 = vector.load %arg4[%get3A_12, %get3A_13] : memref<128x8xf32, #tpu.memory_space<vmem>>, vector<128x8xf32>
    %dot_general3A_15 = arith.constant dense<0.000000e+00> : vector<400x8xf32>
    %dot_general3A_16 = tpu.matmul %get3A_1, %get3A_14, %dot_general3A_15 {dimension_numbers = #tpu.dot_dimension_numbers<[1], [0], [0], [1], [0, 0, 1, 1], [], []>, transpose_lhs_hint = false} : vector<400x128xf32>, vector<128x8xf32>, vector<400x8xf32> -> vector<400x8xf32>
    %get3A_17 = arith.constant 0 : index
    %get3A_18 = arith.constant 0 : index
    %get3A_19 = vector.load %arg5[%get3A_17, %get3A_18] : memref<1x8xf32, #tpu.memory_space<vmem>>, vector<1x8xf32>
    %add3A_20 = vector.broadcast %get3A_19 : vector<1x8xf32> to vector<400x8xf32>
    %add3A_21 = arith.addf %dot_general3A_16, %add3A_20 : vector<400x8xf32>
    %swap3A_22 = arith.constant 0 : index
    %swap3A_23 = arith.constant 0 : index
    %swap3A_24 = vector.load %arg7[%swap3A_22, %swap3A_23] : memref<400x8xf32, #tpu.memory_space<vmem>>, vector<400x8xf32>
    tpu.vector_store %arg7[%swap3A_22, %swap3A_23], %add3A_21 {strides = array<i32>} : memref<400x8xf32, #tpu.memory_space<vmem>>, vector<400x8xf32>,
    return
  }
  func.func @transform_0(%arg0: i32) -> (i32, i32) {
    %c0_i32 = arith.constant 0 : i32
    %c0_i32_0 = arith.constant 0 : i32
    return %arg0, %c0_i32 : i32, i32
  }
  func.func @transform_1(%arg0: i32) -> (i32, i32) {
    %c0_i32 = arith.constant 0 : i32
    %c0_i32_0 = arith.constant 0 : i32
    %c0_i32_1 = arith.constant 0 : i32
    return %c0_i32, %c0_i32_0 : i32, i32
  }
  func.func @transform_2(%arg0: i32) -> (i32, i32) {
    %c0_i32 = arith.constant 0 : i32
    %c0_i32_0 = arith.constant 0 : i32
    %c0_i32_1 = arith.constant 0 : i32
    return %c0_i32, %c0_i32_0 : i32, i32
  }
  func.func @transform_3(%arg0: i32) -> (i32, i32) {
    %c0_i32 = arith.constant 0 : i32
    %c0_i32_0 = arith.constant 0 : i32
    %c0_i32_1 = arith.constant 0 : i32
    return %c0_i32, %c0_i32_0 : i32, i32
  }
  func.func @transform_4(%arg0: i32) -> (i32, i32) {
    %c0_i32 = arith.constant 0 : i32
    %c0_i32_0 = arith.constant 0 : i32
    %c0_i32_1 = arith.constant 0 : i32
    return %c0_i32, %c0_i32_0 : i32, i32
  }
  func.func @transform_5(%arg0: i32) -> (i32, i32) {
    %c0_i32 = arith.constant 0 : i32
    %c0_i32_0 = arith.constant 0 : i32
    return %arg0, %c0_i32 : i32, i32
  }
  func.func @transform_6(%arg0: i32) -> (i32, i32) {
    %c0_i32 = arith.constant 0 : i32
    %c0_i32_0 = arith.constant 0 : i32
    return %arg0, %c0_i32 : i32, i32
  }
}

module attributes {stable_mosaic.version = 14 : i64} {
  func.func @_tc_mid_body(%arg0: i32, %arg1: memref<400x80xf32, #tpu.memory_space<vmem>>, %arg2: memref<400x80xf32, #tpu.memory_space<vmem>>, %arg3: memref<80x64xf32, #tpu.memory_space<vmem>>, %arg4: memref<80x64xf32, #tpu.memory_space<vmem>>, %arg5: memref<1x64xf32, #tpu.memory_space<vmem>>, %arg6: memref<1x64xf32, #tpu.memory_space<vmem>>, %arg7: memref<64x80xf32, #tpu.memory_space<vmem>>, %arg8: memref<1x80xf32, #tpu.memory_space<vmem>>, %arg9: memref<64x8xf32, #tpu.memory_space<vmem>>, %arg10: memref<1x8xf32, #tpu.memory_space<vmem>>, %arg11: memref<400x80xf32, #tpu.memory_space<vmem>>, %arg12: memref<400x8xf32, #tpu.memory_space<vmem>>) attributes {dimension_semantics = [#tpu.dimension_semantics<arbitrary>], iteration_bounds = array<i64: 25>, scalar_prefetch = 0 : i64, scratch_operands = 0 : i64, tpu.core_type = #tpu.core_type<tc>, window_params = [{transform_indices = @transform_0, window_bounds = array<i64: 400, 80>}, {transform_indices = @transform_1, window_bounds = array<i64: 400, 80>}, {pipeline_mode = #tpu.pipeline_mode<synchronous>, transform_indices = @transform_2, window_bounds = array<i64: 80, 64>}, {pipeline_mode = #tpu.pipeline_mode<synchronous>, transform_indices = @transform_3, window_bounds = array<i64: 80, 64>}, {pipeline_mode = #tpu.pipeline_mode<synchronous>, transform_indices = @transform_4, window_bounds = array<i64: 1, 64>}, {pipeline_mode = #tpu.pipeline_mode<synchronous>, transform_indices = @transform_5, window_bounds = array<i64: 1, 64>}, {pipeline_mode = #tpu.pipeline_mode<synchronous>, transform_indices = @transform_6, window_bounds = array<i64: 64, 80>}, {pipeline_mode = #tpu.pipeline_mode<synchronous>, transform_indices = @transform_7, window_bounds = array<i64: 1, 80>}, {pipeline_mode = #tpu.pipeline_mode<synchronous>, transform_indices = @transform_8, window_bounds = array<i64: 64, 8>}, {pipeline_mode = #tpu.pipeline_mode<synchronous>, transform_indices = @transform_9, window_bounds = array<i64: 1, 8>}, {transform_indices = @transform_10, window_bounds = array<i64: 400, 80>}, {transform_indices = @transform_11, window_bounds = array<i64: 400, 8>}]} {
    %get3A = arith.constant 0 : index
    %get3A_0 = arith.constant 0 : index
    %get3A_1 = vector.load %arg1[%get3A, %get3A_0] : memref<400x80xf32, #tpu.memory_space<vmem>>, vector<400x80xf32>
    %get3A_2 = arith.constant 0 : index
    %get3A_3 = arith.constant 0 : index
    %get3A_4 = vector.load %arg2[%get3A_2, %get3A_3] : memref<400x80xf32, #tpu.memory_space<vmem>>, vector<400x80xf32>
    %add3A = arith.addf %get3A_1, %get3A_4 : vector<400x80xf32>
    %get3A_5 = arith.constant 0 : index
    %get3A_6 = arith.constant 0 : index
    %get3A_7 = vector.load %arg3[%get3A_5, %get3A_6] : memref<80x64xf32, #tpu.memory_space<vmem>>, vector<80x64xf32>
    %dot_general3A = arith.constant dense<0.000000e+00> : vector<400x64xf32>
    %dot_general3A_8 = tpu.matmul %add3A, %get3A_7, %dot_general3A {dimension_numbers = #tpu.dot_dimension_numbers<[1], [0], [0], [1], [0, 0, 1, 1], [], []>, transpose_lhs_hint = false} : vector<400x80xf32>, vector<80x64xf32>, vector<400x64xf32> -> vector<400x64xf32>
    %get3A_9 = arith.constant 0 : index
    %get3A_10 = arith.constant 0 : index
    %get3A_11 = vector.load %arg4[%get3A_9, %get3A_10] : memref<80x64xf32, #tpu.memory_space<vmem>>, vector<80x64xf32>
    %dot_general3A_12 = arith.constant dense<0.000000e+00> : vector<400x64xf32>
    %dot_general3A_13 = tpu.matmul %add3A, %get3A_11, %dot_general3A_12 {dimension_numbers = #tpu.dot_dimension_numbers<[1], [0], [0], [1], [0, 0, 1, 1], [], []>, transpose_lhs_hint = false} : vector<400x80xf32>, vector<80x64xf32>, vector<400x64xf32> -> vector<400x64xf32>
    %add3A_14 = arith.constant 1.000000e-16 : f32
    %add3A_15 = vector.broadcast %add3A_14 : f32 to vector<400x64xf32>
    %add3A_16 = arith.addf %dot_general3A_8, %add3A_15 : vector<400x64xf32>
    %div3A = arith.divf %dot_general3A_13, %add3A_16 : vector<400x64xf32>
    %max3A = arith.constant 0.000000e+00 : f32
    %max3A_17 = vector.broadcast %max3A : f32 to vector<400x64xf32>
    %max3A_18 = arith.maximumf %div3A, %max3A_17 : vector<400x64xf32>
    %reduce_sum3A = arith.constant dense<0.000000e+00> : vector<400xf32>
    %reduce_sum3A_19 = vector.multi_reduction <add>, %max3A_18, %reduce_sum3A [1] : vector<400x64xf32> to vector<400xf32>
    %broadcast_in_dim3A = vector.shape_cast %reduce_sum3A_19 : vector<400xf32> to vector<400x1xf32>
    %div3A_20 = arith.constant 6.400000e+01 : f32
    %div3A_21 = vector.broadcast %div3A_20 : f32 to vector<400x1xf32>
    %div3A_22 = arith.divf %broadcast_in_dim3A, %div3A_21 : vector<400x1xf32>
    %sub3A = vector.broadcast %div3A_22 : vector<400x1xf32> to vector<400x64xf32>
    %sub3A_23 = arith.subf %max3A_18, %sub3A : vector<400x64xf32>
    %integer_pow3A = arith.mulf %sub3A_23, %sub3A_23 : vector<400x64xf32>
    %reduce_sum3A_24 = arith.constant dense<0.000000e+00> : vector<400xf32>
    %reduce_sum3A_25 = vector.multi_reduction <add>, %integer_pow3A, %reduce_sum3A_24 [1] : vector<400x64xf32> to vector<400xf32>
    %broadcast_in_dim3A_26 = vector.shape_cast %reduce_sum3A_25 : vector<400xf32> to vector<400x1xf32>
    %div3A_27 = arith.constant 6.400000e+01 : f32
    %div3A_28 = vector.broadcast %div3A_27 : f32 to vector<400x1xf32>
    %div3A_29 = arith.divf %broadcast_in_dim3A_26, %div3A_28 : vector<400x1xf32>
    %sub3A_30 = vector.broadcast %div3A_22 : vector<400x1xf32> to vector<400x64xf32>
    %sub3A_31 = arith.subf %max3A_18, %sub3A_30 : vector<400x64xf32>
    %add3A_32 = arith.constant 9.99999974E-6 : f32
    %add3A_33 = vector.broadcast %add3A_32 : f32 to vector<400x1xf32>
    %add3A_34 = arith.addf %div3A_29, %add3A_33 : vector<400x1xf32>
    %rsqrt3A = math.rsqrt %add3A_34 : vector<400x1xf32>
    %mul3A = vector.broadcast %rsqrt3A : vector<400x1xf32> to vector<400x64xf32>
    %mul3A_35 = arith.mulf %sub3A_31, %mul3A : vector<400x64xf32>
    %get3A_36 = arith.constant 0 : index
    %get3A_37 = arith.constant 0 : index
    %get3A_38 = vector.load %arg5[%get3A_36, %get3A_37] : memref<1x64xf32, #tpu.memory_space<vmem>>, vector<1x64xf32>
    %mul3A_39 = vector.broadcast %get3A_38 : vector<1x64xf32> to vector<400x64xf32>
    %mul3A_40 = arith.mulf %mul3A_35, %mul3A_39 : vector<400x64xf32>
    %get3A_41 = arith.constant 0 : index
    %get3A_42 = arith.constant 0 : index
    %get3A_43 = vector.load %arg6[%get3A_41, %get3A_42] : memref<1x64xf32, #tpu.memory_space<vmem>>, vector<1x64xf32>
    %add3A_44 = vector.broadcast %get3A_43 : vector<1x64xf32> to vector<400x64xf32>
    %add3A_45 = arith.addf %mul3A_40, %add3A_44 : vector<400x64xf32>
    %get3A_46 = arith.constant 0 : index
    %get3A_47 = arith.constant 0 : index
    %get3A_48 = vector.load %arg7[%get3A_46, %get3A_47] : memref<64x80xf32, #tpu.memory_space<vmem>>, vector<64x80xf32>
    %dot_general3A_49 = arith.constant dense<0.000000e+00> : vector<400x80xf32>
    %dot_general3A_50 = tpu.matmul %add3A_45, %get3A_48, %dot_general3A_49 {dimension_numbers = #tpu.dot_dimension_numbers<[1], [0], [0], [1], [0, 0, 1, 1], [], []>, transpose_lhs_hint = false} : vector<400x64xf32>, vector<64x80xf32>, vector<400x80xf32> -> vector<400x80xf32>
    %get3A_51 = arith.constant 0 : index
    %get3A_52 = arith.constant 0 : index
    %get3A_53 = vector.load %arg8[%get3A_51, %get3A_52] : memref<1x80xf32, #tpu.memory_space<vmem>>, vector<1x80xf32>
    %add3A_54 = vector.broadcast %get3A_53 : vector<1x80xf32> to vector<400x80xf32>
    %add3A_55 = arith.addf %dot_general3A_50, %add3A_54 : vector<400x80xf32>
    %swap3A = arith.constant 0 : index
    %swap3A_56 = arith.constant 0 : index
    %swap3A_57 = vector.load %arg11[%swap3A, %swap3A_56] : memref<400x80xf32, #tpu.memory_space<vmem>>, vector<400x80xf32>
    tpu.vector_store %arg11[%swap3A, %swap3A_56], %add3A_55 {strides = array<i32>} : memref<400x80xf32, #tpu.memory_space<vmem>>, vector<400x80xf32>,
    %get3A_58 = arith.constant 0 : index
    %get3A_59 = arith.constant 0 : index
    %get3A_60 = vector.load %arg9[%get3A_58, %get3A_59] : memref<64x8xf32, #tpu.memory_space<vmem>>, vector<64x8xf32>
    %dot_general3A_61 = arith.constant dense<0.000000e+00> : vector<400x8xf32>
    %dot_general3A_62 = tpu.matmul %add3A_45, %get3A_60, %dot_general3A_61 {dimension_numbers = #tpu.dot_dimension_numbers<[1], [0], [0], [1], [0, 0, 1, 1], [], []>, transpose_lhs_hint = false} : vector<400x64xf32>, vector<64x8xf32>, vector<400x8xf32> -> vector<400x8xf32>
    %get3A_63 = arith.constant 0 : index
    %get3A_64 = arith.constant 0 : index
    %get3A_65 = vector.load %arg10[%get3A_63, %get3A_64] : memref<1x8xf32, #tpu.memory_space<vmem>>, vector<1x8xf32>
    %add3A_66 = vector.broadcast %get3A_65 : vector<1x8xf32> to vector<400x8xf32>
    %add3A_67 = arith.addf %dot_general3A_62, %add3A_66 : vector<400x8xf32>
    %swap3A_68 = arith.constant 0 : index
    %swap3A_69 = arith.constant 0 : index
    %swap3A_70 = vector.load %arg12[%swap3A_68, %swap3A_69] : memref<400x8xf32, #tpu.memory_space<vmem>>, vector<400x8xf32>
    tpu.vector_store %arg12[%swap3A_68, %swap3A_69], %add3A_67 {strides = array<i32>} : memref<400x8xf32, #tpu.memory_space<vmem>>, vector<400x8xf32>,
    return
  }
  func.func @transform_0(%arg0: i32) -> (i32, i32) {
    %c0_i32 = arith.constant 0 : i32
    %c0_i32_0 = arith.constant 0 : i32
    return %arg0, %c0_i32 : i32, i32
  }
  func.func @transform_1(%arg0: i32) -> (i32, i32) {
    %c0_i32 = arith.constant 0 : i32
    %c0_i32_0 = arith.constant 0 : i32
    return %arg0, %c0_i32 : i32, i32
  }
  func.func @transform_2(%arg0: i32) -> (i32, i32) {
    %c0_i32 = arith.constant 0 : i32
    %c0_i32_0 = arith.constant 0 : i32
    %c0_i32_1 = arith.constant 0 : i32
    return %c0_i32, %c0_i32_0 : i32, i32
  }
  func.func @transform_3(%arg0: i32) -> (i32, i32) {
    %c0_i32 = arith.constant 0 : i32
    %c0_i32_0 = arith.constant 0 : i32
    %c0_i32_1 = arith.constant 0 : i32
    return %c0_i32, %c0_i32_0 : i32, i32
  }
  func.func @transform_4(%arg0: i32) -> (i32, i32) {
    %c0_i32 = arith.constant 0 : i32
    %c0_i32_0 = arith.constant 0 : i32
    %c0_i32_1 = arith.constant 0 : i32
    return %c0_i32, %c0_i32_0 : i32, i32
  }
  func.func @transform_5(%arg0: i32) -> (i32, i32) {
    %c0_i32 = arith.constant 0 : i32
    %c0_i32_0 = arith.constant 0 : i32
    %c0_i32_1 = arith.constant 0 : i32
    return %c0_i32, %c0_i32_0 : i32, i32
  }
  func.func @transform_6(%arg0: i32) -> (i32, i32) {
    %c0_i32 = arith.constant 0 : i32
    %c0_i32_0 = arith.constant 0 : i32
    %c0_i32_1 = arith.constant 0 : i32
    return %c0_i32, %c0_i32_0 : i32, i32
  }
  func.func @transform_7(%arg0: i32) -> (i32, i32) {
    %c0_i32 = arith.constant 0 : i32
    %c0_i32_0 = arith.constant 0 : i32
    %c0_i32_1 = arith.constant 0 : i32
    return %c0_i32, %c0_i32_0 : i32, i32
  }
  func.func @transform_8(%arg0: i32) -> (i32, i32) {
    %c0_i32 = arith.constant 0 : i32
    %c0_i32_0 = arith.constant 0 : i32
    %c0_i32_1 = arith.constant 0 : i32
    return %c0_i32, %c0_i32_0 : i32, i32
  }
  func.func @transform_9(%arg0: i32) -> (i32, i32) {
    %c0_i32 = arith.constant 0 : i32
    %c0_i32_0 = arith.constant 0 : i32
    %c0_i32_1 = arith.constant 0 : i32
    return %c0_i32, %c0_i32_0 : i32, i32
  }
  func.func @transform_10(%arg0: i32) -> (i32, i32) {
    %c0_i32 = arith.constant 0 : i32
    %c0_i32_0 = arith.constant 0 : i32
    return %arg0, %c0_i32 : i32, i32
  }
  func.func @transform_11(%arg0: i32) -> (i32, i32) {
    %c0_i32 = arith.constant 0 : i32
    %c0_i32_0 = arith.constant 0 : i32
    return %arg0, %c0_i32 : i32, i32
  }
}

module attributes {stable_mosaic.version = 14 : i64} {
  func.func @_tc_fin_body(%arg0: i32, %arg1: memref<400x80xf32, #tpu.memory_space<vmem>>, %arg2: memref<400x80xf32, #tpu.memory_space<vmem>>, %arg3: memref<80x64xf32, #tpu.memory_space<vmem>>, %arg4: memref<80x64xf32, #tpu.memory_space<vmem>>, %arg5: memref<1x64xf32, #tpu.memory_space<vmem>>, %arg6: memref<1x64xf32, #tpu.memory_space<vmem>>, %arg7: memref<64x3xf32, #tpu.memory_space<vmem>>, %arg8: memref<1x3xf32, #tpu.memory_space<vmem>>, %arg9: memref<400x3xf32, #tpu.memory_space<vmem>>) attributes {dimension_semantics = [#tpu.dimension_semantics<arbitrary>], iteration_bounds = array<i64: 25>, scalar_prefetch = 0 : i64, scratch_operands = 0 : i64, tpu.core_type = #tpu.core_type<tc>, window_params = [{transform_indices = @transform_0, window_bounds = array<i64: 400, 80>}, {transform_indices = @transform_1, window_bounds = array<i64: 400, 80>}, {pipeline_mode = #tpu.pipeline_mode<synchronous>, transform_indices = @transform_2, window_bounds = array<i64: 80, 64>}, {pipeline_mode = #tpu.pipeline_mode<synchronous>, transform_indices = @transform_3, window_bounds = array<i64: 80, 64>}, {pipeline_mode = #tpu.pipeline_mode<synchronous>, transform_indices = @transform_4, window_bounds = array<i64: 1, 64>}, {pipeline_mode = #tpu.pipeline_mode<synchronous>, transform_indices = @transform_5, window_bounds = array<i64: 1, 64>}, {pipeline_mode = #tpu.pipeline_mode<synchronous>, transform_indices = @transform_6, window_bounds = array<i64: 64, 3>}, {pipeline_mode = #tpu.pipeline_mode<synchronous>, transform_indices = @transform_7, window_bounds = array<i64: 1, 3>}, {transform_indices = @transform_8, window_bounds = array<i64: 400, 3>}]} {
    %get3A = arith.constant 0 : index
    %get3A_0 = arith.constant 0 : index
    %get3A_1 = vector.load %arg1[%get3A, %get3A_0] : memref<400x80xf32, #tpu.memory_space<vmem>>, vector<400x80xf32>
    %get3A_2 = arith.constant 0 : index
    %get3A_3 = arith.constant 0 : index
    %get3A_4 = vector.load %arg2[%get3A_2, %get3A_3] : memref<400x80xf32, #tpu.memory_space<vmem>>, vector<400x80xf32>
    %add3A = arith.addf %get3A_1, %get3A_4 : vector<400x80xf32>
    %get3A_5 = arith.constant 0 : index
    %get3A_6 = arith.constant 0 : index
    %get3A_7 = vector.load %arg3[%get3A_5, %get3A_6] : memref<80x64xf32, #tpu.memory_space<vmem>>, vector<80x64xf32>
    %dot_general3A = arith.constant dense<0.000000e+00> : vector<400x64xf32>
    %dot_general3A_8 = tpu.matmul %add3A, %get3A_7, %dot_general3A {dimension_numbers = #tpu.dot_dimension_numbers<[1], [0], [0], [1], [0, 0, 1, 1], [], []>, transpose_lhs_hint = false} : vector<400x80xf32>, vector<80x64xf32>, vector<400x64xf32> -> vector<400x64xf32>
    %get3A_9 = arith.constant 0 : index
    %get3A_10 = arith.constant 0 : index
    %get3A_11 = vector.load %arg4[%get3A_9, %get3A_10] : memref<80x64xf32, #tpu.memory_space<vmem>>, vector<80x64xf32>
    %dot_general3A_12 = arith.constant dense<0.000000e+00> : vector<400x64xf32>
    %dot_general3A_13 = tpu.matmul %add3A, %get3A_11, %dot_general3A_12 {dimension_numbers = #tpu.dot_dimension_numbers<[1], [0], [0], [1], [0, 0, 1, 1], [], []>, transpose_lhs_hint = false} : vector<400x80xf32>, vector<80x64xf32>, vector<400x64xf32> -> vector<400x64xf32>
    %add3A_14 = arith.constant 1.000000e-16 : f32
    %add3A_15 = vector.broadcast %add3A_14 : f32 to vector<400x64xf32>
    %add3A_16 = arith.addf %dot_general3A_8, %add3A_15 : vector<400x64xf32>
    %div3A = arith.divf %dot_general3A_13, %add3A_16 : vector<400x64xf32>
    %max3A = arith.constant 0.000000e+00 : f32
    %max3A_17 = vector.broadcast %max3A : f32 to vector<400x64xf32>
    %max3A_18 = arith.maximumf %div3A, %max3A_17 : vector<400x64xf32>
    %reduce_sum3A = arith.constant dense<0.000000e+00> : vector<400xf32>
    %reduce_sum3A_19 = vector.multi_reduction <add>, %max3A_18, %reduce_sum3A [1] : vector<400x64xf32> to vector<400xf32>
    %broadcast_in_dim3A = vector.shape_cast %reduce_sum3A_19 : vector<400xf32> to vector<400x1xf32>
    %div3A_20 = arith.constant 6.400000e+01 : f32
    %div3A_21 = vector.broadcast %div3A_20 : f32 to vector<400x1xf32>
    %div3A_22 = arith.divf %broadcast_in_dim3A, %div3A_21 : vector<400x1xf32>
    %sub3A = vector.broadcast %div3A_22 : vector<400x1xf32> to vector<400x64xf32>
    %sub3A_23 = arith.subf %max3A_18, %sub3A : vector<400x64xf32>
    %integer_pow3A = arith.mulf %sub3A_23, %sub3A_23 : vector<400x64xf32>
    %reduce_sum3A_24 = arith.constant dense<0.000000e+00> : vector<400xf32>
    %reduce_sum3A_25 = vector.multi_reduction <add>, %integer_pow3A, %reduce_sum3A_24 [1] : vector<400x64xf32> to vector<400xf32>
    %broadcast_in_dim3A_26 = vector.shape_cast %reduce_sum3A_25 : vector<400xf32> to vector<400x1xf32>
    %div3A_27 = arith.constant 6.400000e+01 : f32
    %div3A_28 = vector.broadcast %div3A_27 : f32 to vector<400x1xf32>
    %div3A_29 = arith.divf %broadcast_in_dim3A_26, %div3A_28 : vector<400x1xf32>
    %sub3A_30 = vector.broadcast %div3A_22 : vector<400x1xf32> to vector<400x64xf32>
    %sub3A_31 = arith.subf %max3A_18, %sub3A_30 : vector<400x64xf32>
    %add3A_32 = arith.constant 9.99999974E-6 : f32
    %add3A_33 = vector.broadcast %add3A_32 : f32 to vector<400x1xf32>
    %add3A_34 = arith.addf %div3A_29, %add3A_33 : vector<400x1xf32>
    %rsqrt3A = math.rsqrt %add3A_34 : vector<400x1xf32>
    %mul3A = vector.broadcast %rsqrt3A : vector<400x1xf32> to vector<400x64xf32>
    %mul3A_35 = arith.mulf %sub3A_31, %mul3A : vector<400x64xf32>
    %get3A_36 = arith.constant 0 : index
    %get3A_37 = arith.constant 0 : index
    %get3A_38 = vector.load %arg5[%get3A_36, %get3A_37] : memref<1x64xf32, #tpu.memory_space<vmem>>, vector<1x64xf32>
    %mul3A_39 = vector.broadcast %get3A_38 : vector<1x64xf32> to vector<400x64xf32>
    %mul3A_40 = arith.mulf %mul3A_35, %mul3A_39 : vector<400x64xf32>
    %get3A_41 = arith.constant 0 : index
    %get3A_42 = arith.constant 0 : index
    %get3A_43 = vector.load %arg6[%get3A_41, %get3A_42] : memref<1x64xf32, #tpu.memory_space<vmem>>, vector<1x64xf32>
    %add3A_44 = vector.broadcast %get3A_43 : vector<1x64xf32> to vector<400x64xf32>
    %add3A_45 = arith.addf %mul3A_40, %add3A_44 : vector<400x64xf32>
    %get3A_46 = arith.constant 0 : index
    %get3A_47 = arith.constant 0 : index
    %get3A_48 = vector.load %arg7[%get3A_46, %get3A_47] : memref<64x3xf32, #tpu.memory_space<vmem>>, vector<64x3xf32>
    %dot_general3A_49 = arith.constant dense<0.000000e+00> : vector<400x3xf32>
    %dot_general3A_50 = tpu.matmul %add3A_45, %get3A_48, %dot_general3A_49 {dimension_numbers = #tpu.dot_dimension_numbers<[1], [0], [0], [1], [0, 0, 1, 1], [], []>, transpose_lhs_hint = false} : vector<400x64xf32>, vector<64x3xf32>, vector<400x3xf32> -> vector<400x3xf32>
    %get3A_51 = arith.constant 0 : index
    %get3A_52 = arith.constant 0 : index
    %get3A_53 = vector.load %arg8[%get3A_51, %get3A_52] : memref<1x3xf32, #tpu.memory_space<vmem>>, vector<1x3xf32>
    %add3A_54 = vector.broadcast %get3A_53 : vector<1x3xf32> to vector<400x3xf32>
    %add3A_55 = arith.addf %dot_general3A_50, %add3A_54 : vector<400x3xf32>
    %reduce_max3A = arith.constant dense<0xFF800000> : vector<400xf32>
    %reduce_max3A_56 = vector.multi_reduction <maximumf>, %add3A_55, %reduce_max3A [1] : vector<400x3xf32> to vector<400xf32>
    %broadcast_in_dim3A_57 = vector.shape_cast %reduce_max3A_56 : vector<400xf32> to vector<400x1xf32>
    %sub3A_58 = vector.broadcast %broadcast_in_dim3A_57 : vector<400x1xf32> to vector<400x3xf32>
    %sub3A_59 = arith.subf %add3A_55, %sub3A_58 : vector<400x3xf32>
    %exp3A = math.exp %sub3A_59 : vector<400x3xf32>
    %reduce_sum3A_60 = arith.constant dense<0.000000e+00> : vector<400xf32>
    %reduce_sum3A_61 = vector.multi_reduction <add>, %exp3A, %reduce_sum3A_60 [1] : vector<400x3xf32> to vector<400xf32>
    %broadcast_in_dim3A_62 = vector.shape_cast %reduce_sum3A_61 : vector<400xf32> to vector<400x1xf32>
    %div3A_63 = vector.broadcast %broadcast_in_dim3A_62 : vector<400x1xf32> to vector<400x3xf32>
    %div3A_64 = arith.divf %exp3A, %div3A_63 : vector<400x3xf32>
    %swap3A = arith.constant 0 : index
    %swap3A_65 = arith.constant 0 : index
    %swap3A_66 = vector.load %arg9[%swap3A, %swap3A_65] : memref<400x3xf32, #tpu.memory_space<vmem>>, vector<400x3xf32>
    tpu.vector_store %arg9[%swap3A, %swap3A_65], %div3A_64 {strides = array<i32>} : memref<400x3xf32, #tpu.memory_space<vmem>>, vector<400x3xf32>,
    return
  }
  func.func @transform_0(%arg0: i32) -> (i32, i32) {
    %c0_i32 = arith.constant 0 : i32
    %c0_i32_0 = arith.constant 0 : i32
    return %arg0, %c0_i32 : i32, i32
  }
  func.func @transform_1(%arg0: i32) -> (i32, i32) {
    %c0_i32 = arith.constant 0 : i32
    %c0_i32_0 = arith.constant 0 : i32
    return %arg0, %c0_i32 : i32, i32
  }
  func.func @transform_2(%arg0: i32) -> (i32, i32) {
    %c0_i32 = arith.constant 0 : i32
    %c0_i32_0 = arith.constant 0 : i32
    %c0_i32_1 = arith.constant 0 : i32
    return %c0_i32, %c0_i32_0 : i32, i32
  }
  func.func @transform_3(%arg0: i32) -> (i32, i32) {
    %c0_i32 = arith.constant 0 : i32
    %c0_i32_0 = arith.constant 0 : i32
    %c0_i32_1 = arith.constant 0 : i32
    return %c0_i32, %c0_i32_0 : i32, i32
  }
  func.func @transform_4(%arg0: i32) -> (i32, i32) {
    %c0_i32 = arith.constant 0 : i32
    %c0_i32_0 = arith.constant 0 : i32
    %c0_i32_1 = arith.constant 0 : i32
    return %c0_i32, %c0_i32_0 : i32, i32
  }
  func.func @transform_5(%arg0: i32) -> (i32, i32) {
    %c0_i32 = arith.constant 0 : i32
    %c0_i32_0 = arith.constant 0 : i32
    %c0_i32_1 = arith.constant 0 : i32
    return %c0_i32, %c0_i32_0 : i32, i32
  }
  func.func @transform_6(%arg0: i32) -> (i32, i32) {
    %c0_i32 = arith.constant 0 : i32
    %c0_i32_0 = arith.constant 0 : i32
    %c0_i32_1 = arith.constant 0 : i32
    return %c0_i32, %c0_i32_0 : i32, i32
  }
  func.func @transform_7(%arg0: i32) -> (i32, i32) {
    %c0_i32 = arith.constant 0 : i32
    %c0_i32_0 = arith.constant 0 : i32
    %c0_i32_1 = arith.constant 0 : i32
    return %c0_i32, %c0_i32_0 : i32, i32
  }
  func.func @transform_8(%arg0: i32) -> (i32, i32) {
    %c0_i32 = arith.constant 0 : i32
    %c0_i32_0 = arith.constant 0 : i32
    return %arg0, %c0_i32 : i32, i32
  }
}

</mosaic_0001>

<sc_bundles>
// kernel: kernel.12.cloned.1.call-start
scs
__scs_entry_jumppad:
0x0: {  	(pc) =	sbr.rel $0x88, $3  }
0x1: {  	(tag) =	ssettag $0x0;
	lr =	simm.s32 $0x1  }
0x2: {  	[smem:$0x3F8B] =	sst lr;
	_ =	strace $0xD0000000  }
0x3: {  	_ = 	snop  }
0x4: {  	_ = 	snop  }
0x5: {  	_ = 	snop  }
0x6: {  	_ = 	snop  }
0x7: {  	_ = 	snop  }
__scs_overlays_trampoline_lowered:
0x8: {  	[smem:$0x3F9A] =	sst s0  }
0x9: {  	[smem:$0x3F9B] =	sst s1  }
0xa: {  	[smem:$0x3F9C] =	sst s2  }
0xb: {  	[smem:$0x3F9D] =	sst s3  }
0xc: {  	[smem:$0x3F9E] =	sst s4  }
0xd: {  	[smem:$0x3F9F] =	sst s5  }
0xe: {  	[smem:$0x3FA0] =	sst s6  }
0xf: {  	[smem:$0x3FA1] =	sst s7  }
0x10: {  	[smem:$0x3FA2] =	sst s8  }
0x11: {  	[smem:$0x3FA3] =	sst s9;
	s0 =	simm.s32 @!p0 $0x0  }
0x12: {  	s1 =	sld [smem:$0x3F89];
	s0 =	simm.s32 @p0 $0x1  }
0x13: {  	[smem:$0x3FA4] =	sst s0;
	s0 =	simm.s32 @!p1 $0x0  }
0x14: {  	s2 =	sld [smem:$0x3F88];
	s0 =	simm.s32 @p1 $0x1  }
0x15: {  	[smem:$0x3FA5] =	sst s0;
	s0 =	simm.s32 @!p2 $0x0  }
0x16: {  	s3 =	sld [smem:$0x3FDB];
	s0 =	simm.s32 @p2 $0x1  }
0x17: {  	s4 =	simm.s32 $0x1BF5;
	[smem:$0x3FA7] =	sst s0  }
0x18: {  	s0 =	sld [smem:$0x3F8A];
	_ =	swait.ge [sflag:s4], $0x0  }
0x19: {  	s7 =	sld [smem:$0x3F8B]  }
0x1a: {  	s8 =	sadd.s32 $0xFFFFE003, lr  }
0x1b: {  	s9 =	sadd.s32 $0xFFFFFEF7, lr;
	s5 =	simm.s32 $0xFFFFFFFF;
	p2 =	slt.u32 s8, $0xFFFFF086  }
0x1c: {  	p1 =	slt.u32 s9, $0xF7A;
	s5 =	simm.s32 @!p2 $0x0  }
0x1d: {  	s5 =	simm.s32 @p1 $0x1;
	p0 =	seq.s32 s7, s2  }
0x1e: {  	s7 =	smul.u32 @!p0 $0xF7A, s2;
	p2 =	seq.s32 @!p0 s5, $0x0  }
0x1f: {  	s9 =	smul.u32 $0xF7A, s1;
	s8 =	simm.s32 @!p0 $0x1BF5;
	p2 =	por !p2, p0  }
0x20: {  	[sflag:s8] =	ssyncset.s32 @!p0 $0xFFFFF086;
	s6 =	sadd.s32 @!p0 s3, s7;
	s7 =	simm.s32 @!p0 $0x108  }
0x21: {  	s3 =	sadd.s32 s3, s9;
	s6 =	sadd.s32 @!p0 $0x88, s6;
	s7 =	simm.s32 @p2 $0x1082  }
0x22: {  	[simem:s7], [sflag:s8] =	dma.local @!p0 [hbm:s6], $0xF7A  }
0x23: {  	s9 =	sor.u32 $0xD0000000, s2;
	s6 =	simm.s32 $0x108;
	_ =	swait.ge @!p0 [sflag:s8], $0x0  }
0x24: {  	s3 =	sadd.s32 $0x88, s3;
	s6 =	simm.s32 @!p1 $0x1082;
	[sflag:s4] =	ssyncset.s32 $0xFFFFF086  }
0x25: {  	[simem:s6], [sflag:s4] =	dma.local [hbm:s3], $0xF7A  }
0x26: {  	[smem:$0x3F8B] =	sst s1;
	(tag) =	ssettag s2;
	_ =	strace s9  }
0x27: {  	s1 =	sld [smem:$0x3F9B]  }
0x28: {  	s2 =	sld [smem:$0x3F9C]  }
0x29: {  	s4 =	sld [smem:$0x3F9E]  }
0x2a: {  	p0 =	seq.s32 s5, $0x0;
	s5 =	sld [smem:$0x3F9F]  }
0x2b: {  	s6 =	sld [smem:$0x3FA0]  }
0x2c: {  	s7 =	sld [smem:$0x3FA1]  }
0x2d: {  	s3 =	simm.s32 $0x108;
	s8 =	sld [smem:$0x3FA2]  }
0x2e: {  	s3 =	simm.s32 @!p0 $0x1082;
	s9 =	sld [smem:$0x3FA3]  }
0x2f: {  	lr =	sadd.s32 s0, s3;
	s0 =	sld [smem:$0x3F9A]  }
0x30: {  	s3 =	sld [smem:$0x3F9D]  }
0x31: {  	[smem:$0x3FA6] =	sst s10  }
0x32: {  	s10 =	sld [smem:$0x3FA4];
	_ =	sdelay $0x3  }
0x33: {  	p0 =	seq.s32 s10, $0x1;
	s10 =	sld [smem:$0x3FA6];
	_ =	sdelay $0x3  }
0x34: {  	[smem:$0x3FA6] =	sst s10  }
0x35: {  	s10 =	sld [smem:$0x3FA5];
	_ =	sdelay $0x3  }
0x36: {  	p1 =	seq.s32 s10, $0x1;
	s10 =	sld [smem:$0x3FA6];
	_ =	sdelay $0x3  }
0x37: {  	[smem:$0x3FA6] =	sst s10  }
0x38: {  	s10 =	sld [smem:$0x3FA7]  }
0x39: {  	_ = 	snop;
	(pc) =	sbr.ind lr, $3  }
0x3a: {  	_ = 	snop  }
0x3b: {  	_ = 	snop  }
0x3c: {  	p2 =	seq.s32 s10, $0x1;
	s10 =	sld [smem:$0x3FA6]  }
0x3d: {  	_ =	shalt  }
0x3e: {  	_ =	shalt  }
0x3f: {  	_ =	shalt  }
0x40: {  	_ =	shalt  }
0x41: {  	_ =	shalt  }
0x42: {  	_ =	shalt  }
0x43: {  	_ =	shalt  }
0x44: {  	_ =	shalt  }
0x45: {  	_ =	shalt  }
0x46: {  	_ =	shalt  }
0x47: {  	_ =	shalt  }
0x48: {  	_ =	shalt  }
0x49: {  	_ =	shalt  }
0x4a: {  	_ =	shalt  }
0x4b: {  	_ =	shalt  }
0x4c: {  	_ =	shalt  }
0x4d: {  	_ =	shalt  }
0x4e: {  	_ =	shalt  }
0x4f: {  	_ =	shalt  }
0x50: {  	_ =	shalt  }
0x51: {  	_ =	shalt  }
0x52: {  	_ =	shalt  }
0x53: {  	_ =	shalt  }
0x54: {  	_ =	shalt  }
0x55: {  	_ =	shalt  }
0x56: {  	_ =	shalt  }
0x57: {  	_ =	shalt  }
0x58: {  	_ =	shalt  }
0x59: {  	_ =	shalt  }
0x5a: {  	_ =	shalt  }
0x5b: {  	_ =	shalt  }
0x5c: {  	_ =	shalt  }
0x5d: {  	_ =	shalt  }
0x5e: {  	_ =	shalt  }
0x5f: {  	_ =	shalt  }
0x60: {  	_ =	shalt  }
0x61: {  	_ =	shalt  }
0x62: {  	_ =	shalt  }
0x63: {  	_ =	shalt  }
0x64: {  	_ =	shalt  }
0x65: {  	_ =	shalt  }
0x66: {  	_ =	shalt  }
0x67: {  	_ =	shalt  }
0x68: {  	_ =	shalt  }
0x69: {  	_ =	shalt  }
0x6a: {  	_ =	shalt  }
0x6b: {  	_ =	shalt  }
0x6c: {  	_ =	shalt  }
0x6d: {  	_ =	shalt  }
0x6e: {  	_ =	shalt  }
0x6f: {  	_ =	shalt  }
0x70: {  	_ =	shalt  }
0x71: {  	_ =	shalt  }
0x72: {  	_ =	shalt  }
0x73: {  	_ =	shalt  }
0x74: {  	_ =	shalt  }
0x75: {  	_ =	shalt  }
0x76: {  	_ =	shalt  }
0x77: {  	_ =	shalt  }
0x78: {  	_ =	shalt  }
0x79: {  	_ =	shalt  }
0x7a: {  	_ =	shalt  }
0x7b: {  	_ =	shalt  }
0x7c: {  	_ =	shalt  }
0x7d: {  	_ =	shalt  }
0x7e: {  	_ =	shalt  }
0x7f: {  	_ =	shalt  }
0x80: {  	_ =	shalt  }
0x81: {  	_ =	shalt  }
0x82: {  	_ =	shalt  }
0x83: {  	_ =	shalt  }
0x84: {  	_ =	shalt  }
0x85: {  	_ =	shalt  }
0x86: {  	_ =	shalt  }
0x87: {  	_ =	shalt  }
.Lfunc_end0:
.L_simem_size_0:
called_computation.1_lowered:
.L_overlay_start_0:
0x88: {  	s2 =	sld [smem:$0x3FD9]  }
0x89: {  	s3 =	sld [smem:$0x3FFE];
	_ =	sdelay $0x1  }
0x8a: {  	s1 =	srdreg.scid  }
0x8b: {  	s0 =	sand.u32 $0x1, s1  }
0x8c: {  	s16 =	sshll.u32 s0, $0xA;
	s2 =	sadd.s32 s3, s2  }
0x8d: {  	s2 =	sadd.s32 s2, s16  }
0x8e: {  	[smem:$0x3FB2] =	sst s2  }
0x8f: {  	_ = 	snop  }
0x90: {  	(tm) =	ssettm $0x1  }
0x91: {  	s17 =	sld [smem:$0x3FFB];
	_ =	sdelay $0x3  }
0x92: {  	_ =	strace s17  }
0x93: {  	s2 =	sld [smem:$0x3FFC];
	_ =	sdelay $0x3  }
0x94: {  	_ =	strace s2  }
0x95: {  	s2 =	sld [smem:$0x3FFD];
	_ =	sdelay $0x3  }
0x96: {  	_ =	strace s2  }
0x97: {  	_ =	strace $0x8FFFFFFF  }
0x98: {  	s18 =	sld [smem:$0x3FDB];
	_ =	sdelay $0x1  }
0x99: {  	s19 =	simm.s32 $_scs_section_size  }
0x9a: {  	s4 =	simm.s32 $_size__tile_overlayer_lowered;
	s5 =	simm.s32 $_tile_overlayer_lowered  }
0x9b: {  	s22 =	simm.s32 $0x1BFF;
	s21 =	sshll.u32 s5, $0x1;
	s2 =	sadd.s32 s19, s18  }
0x9c: {  	s6 =	simm.s32 $0x0;
	s20 =	sshll.u32 s4, $0x1;
	s4 =	sadd.s32 s21, s2  }
0x9d: {  	[timem:s6], [sflag:s22] =	dma.local [hbm:s4], s20  }
0x9e: {  	_ =	swait.ge [sflag:s22], s20  }
0x9f: {  	s3 =	ssub.s32 $0x0, s20;
	[sflag:s22] =	ssyncset.done $0x0  }
0xa0: {  	[sflag:s22] =	ssyncadd.s32 s3;
	_ =	sdelay $0x1  }
0xa1: {  	s23 =	simm.s32 $0x1B8B  }
0xa2: {  	_ =	swait.ge [sflag:s23], $0x1  }
0xa3: {  	[sflag:s23] =	ssyncset.done $0x0  }
0xa4: {  	s25 =	simm.s32 $0x1B8E;
	s24 =	sld [smem:$0x3FFE];
	[sflag:s23] =	ssyncadd.s32 $0xFFFFFFFF  }
0xa5: {  	s26 =	simm.s32 $execute0_lowered;
	[smem:$0x3FD2] =	sst s25  }
0xa6: {  	s4 =	sshll.u32 s26, $0x1;
	_ =	strace $0x80000049;
	[dreg:$0x1] =	wrdreg $0xFFFFFFFF  }
0xa7: {  	s28 =	simm.s32 $_size_execute0_lowered;
	s2 =	sadd.s32 s2, s4;
	[dreg:$0x0] =	wrdreg $0x0  }
0xa8: {  	s4 =	sshll.u32 s28, $0x1;
	[dreg:$0x2] =	wrdreg s2  }
0xa9: {  	[dreg:$0x3] =	wrdreg s4  }
0xaa: {  	[dreg:$0x4] =	wrdreg $0xC0  }
0xab: {  	_ =	task [dreg:s6], $0x5FFFF  }
0xac: {  	[dreg:$0x1] =	wrdreg $0xFFFFFFFF  }
0xad: {  	[dreg:$0x0] =	wrdreg $0x60  }
0xae: {  	[dreg:$0x2] =	wrdreg s24  }
0xaf: {  	[dreg:$0x3] =	wrdreg $0x35300  }
0xb0: {  	[dreg:$0x4] =	wrdreg $0x9  }
0xb1: {  	_ =	task.clear_ibuf [dreg:s6], $0x5FFFF;
	_ =	strace $0x90000049  }
0xb2: {  	s29 =	simm.s32 $0x9;
	_ =	strace $0x8000004B  }
0xb3: {  	_ =	swait.ge [sflag:s29], $0x1  }
0xb4: {  	[sflag:s29] =	ssyncadd.s32 $0xFFFFFFFF  }
0xb5: {  	_ =	strace $0x9000004B  }
0xb6: {  	_ =	sfence  }
0xb7: {  	s30 =	sld [smem:$0x0];
	_ =	sdelay $0x2  }
0xb8: {  	s31 =	sshll.u32 s1, $0xD;
	s1 =	sshrl.u32 s1, $0x2  }
0xb9: {  	s3 =	sand.u32 $0x4000, s31;
	s1 =	sadd.s32 s1, s30  }
0xba: {  	s0 =	sor.u32 s3, s0;
	s1 =	sshll.u32 s1, $0x11  }
0xbb: {  	s0 =	sor.u32 s1, s0  }
0xbc: {  	s0 =	sadd.s32 $0x8F2B, s0  }
0xbd: {  	[sflag:s0] =	ssyncadd.remote.s32 $0x1  }
0xbe: {  	_ =	sfence.sel $0xFFFF  }
0xbf: {  	[dreg:$0x0] =	wrdreg $0xFFFFFFFF;
	(pc) =	sbr.abs _section_cstart, $3  }
0xc0: {  	[dreg:$0x1] =	wrdreg $0xFFFFFFFF  }
0xc1: {  	_ =	task.clear_ibuf [dreg:s6], $0x2FFFF;
	_ =	strace $0x9FFFFFFF  }
0xc2: {  	(tm) =	ssettm $0x7FFFFFFF  }
0xc3: {  	_ =	shalt  }
tec
execute0_lowered:
.L_overlay_start_1:
0x0: {  	(tag) =	ssettag $0x1  }
0x1: {  	s9 =	rddreg [dreg:$0x0]  }
0x2: {  	s1 =	rddreg [dreg:$0x1]  }
0x3: {  	s2 =	simm.s32 $0x0;
	s14 =	stileid.u32;
	s5 =	srdreg.scid  }
0x4: {  	s19 =	simm.s32 $0x19A0;
	s20 =	simm.s32 $0x1;
	s21 =	simm.s32 $0x2  }
0x5: {  	s22 =	simm.s32 $0x1C20;
	s23 =	simm.s32 $0x3520;
	[smem:$0x7FF] =	sst s2  }
0x6: {  	s10 =	smul.u32 $0xC300, s14;
	s3 =	sadd.s32 $0x28200, s9;
	s4 =	sadd.s32 $0x1E400, s9  }
0x7: {  	s7 =	sand.u32 $0x1, s5;
	s5 =	sadd.s32 $0x3400, s9;
	s6 =	sadd.s32 $0x1BC00, s9  }
0x8: {  	s13 =	sadd.s32 $0x4A800, s9;
	s28 =	sshll.u32 s14, $0x1;
	s29 =	sshll.u32 s14, $0x6  }
0x9: {  	s18 =	sadd.s32 $0xC3000, s1;
	p0 =	sne.s32 s14, $0x0;
	_ =	strace $0x8000004A  }
0xa: {  	s11 =	ssub.s32 $0x2, s7;
	s16 =	smul.u32 $0xC3500, s7;
	s8 =	sshrl.u32 s10, $0x3  }
0xb: {  	s12 =	sshrl.u32 s11, $0x1;
	s17 =	sadd.s32 s10, s1;
	s8 =	sadd.s32 s8, s9  }
0xc: {  	v2 =	vlaneseq.u32;
	s15 =	ssub.s32 s11, s12;
	s11 =	sor.u32 s7, s28;
	s10 =	sadd.s32 s10, s16  }
0xd: {  	v0 =	vshrl.u32 v2, $0x3;
	s30 =	sshrl.u32 s16, $0x3;
	s9 =	sadd.s32 $0x4A600, s9;
	s14 =	sshrl.u32 s17, $0x3  }
0xe: {  	v9 =	vor.u32 $0xE, v0;
	s16 =	sshrl.u32 @!p0 s18, $0x3;
	s17 =	simm.s32 $0x50;
	s18 =	simm.s32 $0xA0  }
0xf: {  	v1 =	vimm.f32 $0.0e+00;
	v8 =	vor.u32 $0x6, v0;
	s7 =	sadd.s32 $0x32000, s8;
	s8 =	sor.u32 $0x1C03, s29;
	s31 =	sshrl.u32 s10, $0x3  }
0x10: {  	v2 =	vand.u32 $0x7, v2;
	v3 =	vor.u32 $0x8, v0;
	v4 =	vor.u32 $0x2, v0;
	s12 =	sadd.s32 s13, s30;
	s10 =	smul.u32 $0x2710, s11;
	s11 =	sadd.s32 s13, s31  }
0x11: {  	v5 =	vor.u32 $0xA, v0;
	v6 =	vor.u32 $0x4, v0;
	v7 =	vor.u32 $0xC, v0;
	s12 =	sadd.s32 $0x18600, s12;
	s13 =	smax.u32 s15, $0x1;
	s15 =	simm.s32 $0x3  }
.LBB2_1:
0x12: {  	[spmem:s14], [sflag:s8] =	dma.local [hbm:s7], $0x1860  }
0x13: {  	_ =	swait.ge [sflag:s15], $0x1860  }
0x14: {  	[sflag:s15] =	ssyncset.done $0x0  }
0x15: {  	s24 =	simm.s32 @!p0 $0x3;
	[sflag:s15] =	ssyncadd.s32 $0xFFFFE7A0  }
0x16: {  	[spmem:s16], [sflag:s8] =	dma.local @!p0 [hbm:s9], $0xA0  }
0x17: {  	_ =	swait.ge @!p0 [sflag:s24], $0xA0  }
0x18: {  	[sflag:s24] =	ssyncset.done @!p0 $0x0  }
0x19: {  	s25 =	simm.s32 $0x40;
	[sflag:s24] =	ssyncadd.s32 @!p0 $0xFFFFFF60;
	s24 =	simm.s32 $0x240  }
.LBB2_2:
0x1a: {  	p1 =	sne.s32 s24, $0x63C0;
	[tilespmem:s25+$0x1C20] =	vst v1;
	s25 =	smov.u32 s24;
	s24 =	sadd.s32 $0x140, s24  }
.Ltmp0:
0x1b: {  	(pc) =	sbr.rel @p1 .LBB2_2-.Ltmp0, $2  }
0x1c: {  	_ =	sdelay $0x2  }
0x1d: {  	s25 =	sshra.s32 s25, $0x2  }
0x1e: {  	[tilespmem:s25+$0x1C20] =	vst v1  }
0x1f: {  	s24 =	simm.s32 $0x0;
	s25 =	simm.s32 $0x0;
	[bflag:$0x0] =	sbarrier.arrive $0xFFFF  }
.LBB2_4:
0x20: {  	s26 =	smul.u32 $0x50, s25;
	_ =	sdelay $0x1  }
0x21: {  	s26 =	sadd.s32 s10, s26  }
0x22: {  	s26 =	sshrl.u32 s26, $0x3  }
0x23: {  	s28 =	sadd.s32 s3, s26  }
0x24: {  	[tilespmem:s24], [sflag:$0x3] =	stream.linear.gather [hbm4b:s28+s24], $0x50, $0x38;
	[tilespmem:$0xF880] =	vst v63  }
0x25: {  	_ =	swait.ge [sflag:s15], $0x50  }
0x26: {  	[sflag:s15] =	ssyncset.done $0x0  }
0x27: {  	s26 =	sadd.s32 s4, s26;
	[sflag:s15] =	ssyncadd.s32 $0xFFFFFFB0  }
0x28: {  	[tilespmem:s17], [sflag:$0x3] =	stream.linear.gather [hbm4b:s26+s24], $0x50, $0x38;
	[tilespmem:$0xF880] =	vst v63  }
0x29: {  	_ =	swait.ge [sflag:s15], $0x50  }
0x2a: {  	[sflag:s15] =	ssyncset.done $0x0  }
0x2b: {  	[sflag:s15] =	ssyncadd.s32 $0xFFFFFFB0  }
0x2c: {  	[tilespmem:s18], [sflag:$0x1] =	stream.indirect.gather [hbm4b:s5+s17], $0x50, s24, s17, $0xb8;
	[tilespmem:$0xF880] =	vst v63  }
0x2d: {  	v10 =	vor.u32 s24, v0  }
0x2e: {  	v11 =	vmul.u32 $0x50, v10;
	[tilespmem:s19], [sflag:$0x2] =	stream.indirect.gather [hbm4b:s6+s17], $0x8, s17, s17, $0xb8;
	[tilespmem:$0xF880] =	vst v63  }
0x2f: {  	_ =	swait.ge [sflag:s20], $0x1900  }
0x30: {  	v10 =	vshll.u32 v10, $0x3;
	v11 =	vor.u32 v2, v11;
	[sflag:s20] =	ssyncset.done $0x0  }
0x31: {  	v10 =	vor.u32 v2, v10;
	[sflag:s20] =	ssyncadd.s32 $0xFFFFE700  }
0x32: {  	_ =	swait.ge [sflag:s21], $0x280  }
0x33: {  	[sflag:s21] =	ssyncset.done $0x0  }
0x34: {  	[sflag:s21] =	ssyncadd.s32 $0xFFFFFD80  }
0x35: {  	v12 =	vld.idx.msk [tilespmem:v11+s18+$0x0], $0xffff  }
0x36: {  	v10 =	vld.idx.msk [tilespmem:v10+s19+$0x0], $0xffff;
	_ =	sdelay $0x4  }
0x37: {  	v10 =	vadd.f32 v10, v12;
	_ =	sdelay $0x1  }
0x38: {  	v12 =	vmul.f32 $2.000000030e-01, v10;
	_ =	sdelay $0x1  }
0x39: {  	v10 =	vmax.f32 v10, v12  }
0x3a: {  	v10 =	vmul.f32 $1.442695020e+00, v10;
	_ =	sdelay $0x1  }
0x3b: {  	(erf) = vpow2.f32 v10;
	_ =	sdelay $0x8  }
0x3c: {  	v10 =	vpop (erf)  }
0x3d: {  	[tilespmem:$0x3520] =	vst v10  }
0x3e: {  	[tilespmem:v11+s22+$0x0] =	vst.idx.msk $0xffff, v10  }
0x3f: {  	s26 =	simm.s32 $0xF8;
	v10 =	vld.idx.msk [tilespmem:v0+s23+$0x0], $0xffff  }
0x40: {  	v11 =	vld [tilespmem:s26+$0xFFFFFFB0]  }
0x41: {  	v59 =	vld.idx.msk [tilespmem:v3+s23+$0x0], $0xffff  }
0x42: {  	v13 =	vld [tilespmem:s26+$0x0];
	_ =	sdelay $0x3  }
0x43: {  	v10 =	vmul.f32 v11, v10  }
0x44: {  	s28 =	simm.s32 $0x1C78;
	v11 =	vmul.f32 v13, v59  }
0x45: {  	[tilespmem:s28+$0xFFFFFFB0] =	vst v10  }
0x46: {  	[tilespmem:s28+$0x0] =	vst v11  }
0x47: {  	v10 =	vld [tilespmem:s26+$0x10]  }
0x48: {  	v11 =	vld.idx.msk [tilespmem:v5+s23+$0x0], $0xffff  }
0x49: {  	v60 =	vld.idx.msk [tilespmem:v4+s23+$0x0], $0xffff  }
0x4a: {  	v61 =	vld [tilespmem:s26+$0xFFFFFFC0];
	_ =	sdelay $0x3  }
0x4b: {  	v10 =	vmul.f32 v10, v11  }
0x4c: {  	v11 =	vmul.f32 v61, v60  }
0x4d: {  	[tilespmem:s28+$0x10] =	vst v10  }
0x4e: {  	[tilespmem:s28+$0xFFFFFFC0] =	vst v11  }
0x4f: {  	v10 =	vld.idx.msk [tilespmem:v6+s23+$0x0], $0xffff  }
0x50: {  	v11 =	vld.idx.msk [tilespmem:v7+s23+$0x0], $0xffff  }
0x51: {  	v62 =	vld [tilespmem:s26+$0x20]  }
0x52: {  	v63 =	vld [tilespmem:s26+$0xFFFFFFD0];
	_ =	sdelay $0x3  }
0x53: {  	v11 =	vmul.f32 v62, v11  }
0x54: {  	v10 =	vmul.f32 v63, v10  }
0x55: {  	[tilespmem:s28+$0x20] =	vst v11  }
0x56: {  	s30 =	simm.s32 $0x2;
	s31 =	simm.s32 $0xF8;
	s29 =	simm.s32 $0x1C78;
	[tilespmem:s28+$0xFFFFFFD0] =	vst v10  }
.LBB2_5:
0x57: {  	p1 =	sne.s32 s30, $0x4E;
	v10 =	vld [tilespmem:s26+$0x30];
	s31 =	sadd.s32 $0xA0, s31;
	s28 =	sadd.s32 $0xA0, s28  }
0x58: {  	s0 =	smov.u32 s30;
	s30 =	sadd.s32 $0x2, s30;
	v11 =	vld.idx.msk [tilespmem:v9+s23+$0x0], $0xffff  }
0x59: {  	v12 =	vor.u32 s0, v0;
	v13 =	vld.idx.msk [tilespmem:v8+s23+$0x0], $0xffff  }
0x5a: {  	v14 =	vmul.u32 $0x50, v12;
	v12 =	vshll.u32 v12, $0x3;
	v15 =	vld [tilespmem:s26+$0xFFFFFFE0];
	s26 =	smov.u32 s31  }
0x5b: {  	v12 =	vor.u32 v2, v12  }
0x5c: {  	v14 =	vor.u32 v2, v14;
	_ =	sdelay $0x1  }
0x5d: {  	v10 =	vmul.f32 v10, v11  }
0x5e: {  	v11 =	vmul.f32 v15, v13  }
0x5f: {  	[tilespmem:s29+$0x30] =	vst v10  }
0x60: {  	[tilespmem:s29+$0xFFFFFFE0] =	vst v11;
	s29 =	smov.u32 s28  }
0x61: {  	v10 =	vld.idx.msk [tilespmem:v14+s18+$0x0], $0xffff  }
0x62: {  	v11 =	vld.idx.msk [tilespmem:v12+s19+$0x0], $0xffff;
	_ =	sdelay $0x5  }
0x63: {  	v10 =	vadd.f32 v11, v10;
	_ =	sdelay $0x1  }
0x64: {  	v11 =	vmul.f32 $2.000000030e-01, v10;
	_ =	sdelay $0x1  }
0x65: {  	v10 =	vmax.f32 v10, v11  }
0x66: {  	v10 =	vmul.f32 $1.442695020e+00, v10;
	_ =	sdelay $0x1  }
0x67: {  	(erf) = vpow2.f32 v10;
	_ =	sdelay $0x8  }
0x68: {  	v10 =	vpop (erf)  }
0x69: {  	[tilespmem:$0x3520] =	vst v10  }
0x6a: {  	[tilespmem:v14+s22+$0x0] =	vst.idx.msk $0xffff, v10  }
0x6b: {  	v10 =	vld.idx.msk [tilespmem:v0+s23+$0x0], $0xffff  }
0x6c: {  	v11 =	vld [tilespmem:s31+$0xFFFFFFB0]  }
0x6d: {  	v12 =	vld.idx.msk [tilespmem:v3+s23+$0x0], $0xffff  }
0x6e: {  	v13 =	vld [tilespmem:s31+$0x0];
	_ =	sdelay $0x2  }
0x6f: {  	v10 =	vmul.f32 v11, v10;
	_ =	sdelay $0x1  }
0x70: {  	[tilespmem:s28+$0xFFFFFFB0] =	vst v10;
	v10 =	vmul.f32 v13, v12;
	_ =	sdelay $0x1  }
0x71: {  	[tilespmem:s28+$0x0] =	vst v10  }
0x72: {  	v10 =	vld [tilespmem:s31+$0x10]  }
0x73: {  	v11 =	vld.idx.msk [tilespmem:v5+s23+$0x0], $0xffff  }
0x74: {  	v12 =	vld.idx.msk [tilespmem:v4+s23+$0x0], $0xffff  }
0x75: {  	v13 =	vld [tilespmem:s31+$0xFFFFFFC0];
	_ =	sdelay $0x3  }
0x76: {  	v10 =	vmul.f32 v10, v11  }
0x77: {  	v11 =	vmul.f32 v13, v12  }
0x78: {  	[tilespmem:s28+$0x10] =	vst v10  }
0x79: {  	[tilespmem:s28+$0xFFFFFFC0] =	vst v11  }
0x7a: {  	v10 =	vld.idx.msk [tilespmem:v6+s23+$0x0], $0xffff  }
0x7b: {  	v11 =	vld.idx.msk [tilespmem:v7+s23+$0x0], $0xffff  }
0x7c: {  	v12 =	vld [tilespmem:s31+$0x20]  }
0x7d: {  	v13 =	vld [tilespmem:s31+$0xFFFFFFD0];
	_ =	sdelay $0x2  }
.Ltmp1:
0x7e: {  	(pc) =	sbr.rel @p1 .LBB2_5-.Ltmp1, $4  }
0x7f: {  	v11 =	vmul.f32 v12, v11  }
0x80: {  	v10 =	vmul.f32 v13, v10  }
0x81: {  	[tilespmem:s28+$0x20] =	vst v11  }
0x82: {  	[tilespmem:s28+$0xFFFFFFD0] =	vst v10  }
0x83: {  	_ =	sdelay $0x2  }
0x84: {  	v10 =	vld [tilespmem:s26+$0x30]  }
0x85: {  	v11 =	vld.idx.msk [tilespmem:v9+s23+$0x0], $0xffff  }
0x86: {  	v12 =	vld.idx.msk [tilespmem:v8+s23+$0x0], $0xffff  }
0x87: {  	v13 =	vld [tilespmem:s26+$0xFFFFFFE0];
	_ =	sdelay $0x3  }
0x88: {  	v10 =	vmul.f32 v10, v11  }
0x89: {  	s25 =	sadd.s32 $0x1, s25;
	v11 =	vmul.f32 v13, v12  }
0x8a: {  	p1 =	sne.s32 s25, $0x7D;
	[tilespmem:s29+$0x30] =	vst v10  }
.Ltmp2:
0x8b: {  	[tilespmem:s29+$0xFFFFFFE0] =	vst v11;
	(pc) =	sbr.rel @p1 .LBB2_4-.Ltmp2, $4  }
0x8c: {  	[spmem:s1] =	stream.indirect.scatter.add.f32 [tilespmem:s22], [sflag:$0x3], $0x50, s17, s17, $0xb8;
	[tilespmem:$0xF880] =	vst v63  }
0x8d: {  	_ =	swait.ge [sflag:s15], $0x1900  }
0x8e: {  	[sflag:s15] =	ssyncset.done $0x0  }
0x8f: {  	[sflag:s15] =	ssyncadd.s32 $0xFFFFE700  }
0x90: {  	[bflag:$0x0] =	sbarrier.arrive $0xFFFF  }
0x91: {  	[hbm:s11], [sflag:s8] =	dma.local [spmem:s14], $0x1860  }
0x92: {  	s2 =	sadd.s32 $0x1, s2;
	_ =	swait.ge [sflag:s15], $0x1860  }
0x93: {  	p1 =	sne.s32 s2, s13;
	[sflag:s15] =	ssyncset.done $0x0  }
.Ltmp3:
0x94: {  	s0 =	simm.s32 @!p0 $0x3;
	[sflag:s15] =	ssyncadd.s32 $0xFFFFE7A0;
	(pc) =	sbr.rel @p1 .LBB2_1-.Ltmp3, $4  }
0x95: {  	[hbm:s12], [sflag:s8] =	dma.local @!p0 [spmem:s16], $0xA0  }
0x96: {  	_ =	swait.ge @!p0 [sflag:s0], $0xA0  }
0x97: {  	[sflag:s0] =	ssyncset.done @!p0 $0x0  }
0x98: {  	[sflag:s0] =	ssyncadd.s32 @!p0 $0xFFFFFF60  }
0x99: {  	_ =	sfence.sel $0x180000  }
0x9a: {  	[bflag:$0x0] =	sbarrier.arrive $0xFFFF  }
0x9b: {  	_ =	strace $0x9000004A  }
0x9c: {  	[bflag:$0x2] =	sbarrier.arrive $0xFFFF  }
0x9d: {  	s0 =	rddreg [dreg:$0x2]  }
0x9e: {  	s0 =	sadd.s32 @!p0 $0x100000, s0  }
0x9f: {  	[sflag:s0] =	ssyncadd.tile.s32 @!p0 $0x1;
	_ =	shalt  }
.Lfunc_end2:
_tile_overlayer_lowered:
.L_overlay_start_2:
0xa0: {  	(tag) =	ssettag $0x2  }
0xa1: {  	s0 =	rddreg [dreg:$0x0];
	s2 =	stileid.u32  }
0xa2: {  	s1 =	rddreg [dreg:$0x1];
	p0 =	sne.s32 s2, $0x0  }
0xa3: {  	s3 =	rddreg [dreg:$0x2];
	[bflag:$0x3] =	sbarrier.arrive $0xFFFF;
	s2 =	simm.s32 @!p0 $0x1C03  }
0xa4: {  	[timem:s3], [sflag:s2] =	dma.local @!p0 [hbm:s0], s1  }
0xa5: {  	s0 =	simm.s32 @!p0 $0x3  }
0xa6: {  	_ =	swait.ge @!p0 [sflag:s0], s1  }
0xa7: {  	s1 =	ssub.s32 @!p0 $0x0, s1;
	[sflag:s0] =	ssyncset.done @!p0 $0x0  }
0xa8: {  	[sflag:s0] =	ssyncadd.s32 @!p0 s1  }
0xa9: {  	[bflag:$0x3] =	sbarrier.arrive $0xFFFF  }
0xaa: {  	_ =	shalt  }

// kernel: kernel.15.cloned.1.call-start
scs
__scs_entry_jumppad:
0x0: {  	(pc) =	sbr.rel $0x88, $3  }
0x1: {  	(tag) =	ssettag $0x0;
	lr =	simm.s32 $0x1  }
0x2: {  	[smem:$0x3F8B] =	sst lr;
	_ =	strace $0xD0000000  }
0x3: {  	_ = 	snop  }
0x4: {  	_ = 	snop  }
0x5: {  	_ = 	snop  }
0x6: {  	_ = 	snop  }
0x7: {  	_ = 	snop  }
__scs_overlays_trampoline_lowered:
0x8: {  	[smem:$0x3F9A] =	sst s0  }
0x9: {  	[smem:$0x3F9B] =	sst s1  }
0xa: {  	[smem:$0x3F9C] =	sst s2  }
0xb: {  	[smem:$0x3F9D] =	sst s3  }
0xc: {  	[smem:$0x3F9E] =	sst s4  }
0xd: {  	[smem:$0x3F9F] =	sst s5  }
0xe: {  	[smem:$0x3FA0] =	sst s6  }
0xf: {  	[smem:$0x3FA1] =	sst s7  }
0x10: {  	[smem:$0x3FA2] =	sst s8  }
0x11: {  	[smem:$0x3FA3] =	sst s9;
	s0 =	simm.s32 @!p0 $0x0  }
0x12: {  	s1 =	sld [smem:$0x3F89];
	s0 =	simm.s32 @p0 $0x1  }
0x13: {  	[smem:$0x3FA4] =	sst s0;
	s0 =	simm.s32 @!p1 $0x0  }
0x14: {  	s2 =	sld [smem:$0x3F88];
	s0 =	simm.s32 @p1 $0x1  }
0x15: {  	[smem:$0x3FA5] =	sst s0;
	s0 =	simm.s32 @!p2 $0x0  }
0x16: {  	s3 =	sld [smem:$0x3FDB];
	s0 =	simm.s32 @p2 $0x1  }
0x17: {  	s4 =	simm.s32 $0x1BF5;
	[smem:$0x3FA7] =	sst s0  }
0x18: {  	s0 =	sld [smem:$0x3F8A];
	_ =	swait.ge [sflag:s4], $0x0  }
0x19: {  	s7 =	sld [smem:$0x3F8B]  }
0x1a: {  	s8 =	sadd.s32 $0xFFFFE003, lr  }
0x1b: {  	s9 =	sadd.s32 $0xFFFFFEF7, lr;
	s5 =	simm.s32 $0xFFFFFFFF;
	p2 =	slt.u32 s8, $0xFFFFF086  }
0x1c: {  	p1 =	slt.u32 s9, $0xF7A;
	s5 =	simm.s32 @!p2 $0x0  }
0x1d: {  	s5 =	simm.s32 @p1 $0x1;
	p0 =	seq.s32 s7, s2  }
0x1e: {  	s7 =	smul.u32 @!p0 $0xF7A, s2;
	p2 =	seq.s32 @!p0 s5, $0x0  }
0x1f: {  	s9 =	smul.u32 $0xF7A, s1;
	s8 =	simm.s32 @!p0 $0x1BF5;
	p2 =	por !p2, p0  }
0x20: {  	[sflag:s8] =	ssyncset.s32 @!p0 $0xFFFFF086;
	s6 =	sadd.s32 @!p0 s3, s7;
	s7 =	simm.s32 @!p0 $0x108  }
0x21: {  	s3 =	sadd.s32 s3, s9;
	s6 =	sadd.s32 @!p0 $0x88, s6;
	s7 =	simm.s32 @p2 $0x1082  }
0x22: {  	[simem:s7], [sflag:s8] =	dma.local @!p0 [hbm:s6], $0xF7A  }
0x23: {  	s9 =	sor.u32 $0xD0000000, s2;
	s6 =	simm.s32 $0x108;
	_ =	swait.ge @!p0 [sflag:s8], $0x0  }
0x24: {  	s3 =	sadd.s32 $0x88, s3;
	s6 =	simm.s32 @!p1 $0x1082;
	[sflag:s4] =	ssyncset.s32 $0xFFFFF086  }
0x25: {  	[simem:s6], [sflag:s4] =	dma.local [hbm:s3], $0xF7A  }
0x26: {  	[smem:$0x3F8B] =	sst s1;
	(tag) =	ssettag s2;
	_ =	strace s9  }
0x27: {  	s1 =	sld [smem:$0x3F9B]  }
0x28: {  	s2 =	sld [smem:$0x3F9C]  }
0x29: {  	s4 =	sld [smem:$0x3F9E]  }
0x2a: {  	p0 =	seq.s32 s5, $0x0;
	s5 =	sld [smem:$0x3F9F]  }
0x2b: {  	s6 =	sld [smem:$0x3FA0]  }
0x2c: {  	s7 =	sld [smem:$0x3FA1]  }
0x2d: {  	s3 =	simm.s32 $0x108;
	s8 =	sld [smem:$0x3FA2]  }
0x2e: {  	s3 =	simm.s32 @!p0 $0x1082;
	s9 =	sld [smem:$0x3FA3]  }
0x2f: {  	lr =	sadd.s32 s0, s3;
	s0 =	sld [smem:$0x3F9A]  }
0x30: {  	s3 =	sld [smem:$0x3F9D]  }
0x31: {  	[smem:$0x3FA6] =	sst s10  }
0x32: {  	s10 =	sld [smem:$0x3FA4];
	_ =	sdelay $0x3  }
0x33: {  	p0 =	seq.s32 s10, $0x1;
	s10 =	sld [smem:$0x3FA6];
	_ =	sdelay $0x3  }
0x34: {  	[smem:$0x3FA6] =	sst s10  }
0x35: {  	s10 =	sld [smem:$0x3FA5];
	_ =	sdelay $0x3  }
0x36: {  	p1 =	seq.s32 s10, $0x1;
	s10 =	sld [smem:$0x3FA6];
	_ =	sdelay $0x3  }
0x37: {  	[smem:$0x3FA6] =	sst s10  }
0x38: {  	s10 =	sld [smem:$0x3FA7]  }
0x39: {  	_ = 	snop;
	(pc) =	sbr.ind lr, $3  }
0x3a: {  	_ = 	snop  }
0x3b: {  	_ = 	snop  }
0x3c: {  	p2 =	seq.s32 s10, $0x1;
	s10 =	sld [smem:$0x3FA6]  }
0x3d: {  	_ =	shalt  }
0x3e: {  	_ =	shalt  }
0x3f: {  	_ =	shalt  }
0x40: {  	_ =	shalt  }
0x41: {  	_ =	shalt  }
0x42: {  	_ =	shalt  }
0x43: {  	_ =	shalt  }
0x44: {  	_ =	shalt  }
0x45: {  	_ =	shalt  }
0x46: {  	_ =	shalt  }
0x47: {  	_ =	shalt  }
0x48: {  	_ =	shalt  }
0x49: {  	_ =	shalt  }
0x4a: {  	_ =	shalt  }
0x4b: {  	_ =	shalt  }
0x4c: {  	_ =	shalt  }
0x4d: {  	_ =	shalt  }
0x4e: {  	_ =	shalt  }
0x4f: {  	_ =	shalt  }
0x50: {  	_ =	shalt  }
0x51: {  	_ =	shalt  }
0x52: {  	_ =	shalt  }
0x53: {  	_ =	shalt  }
0x54: {  	_ =	shalt  }
0x55: {  	_ =	shalt  }
0x56: {  	_ =	shalt  }
0x57: {  	_ =	shalt  }
0x58: {  	_ =	shalt  }
0x59: {  	_ =	shalt  }
0x5a: {  	_ =	shalt  }
0x5b: {  	_ =	shalt  }
0x5c: {  	_ =	shalt  }
0x5d: {  	_ =	shalt  }
0x5e: {  	_ =	shalt  }
0x5f: {  	_ =	shalt  }
0x60: {  	_ =	shalt  }
0x61: {  	_ =	shalt  }
0x62: {  	_ =	shalt  }
0x63: {  	_ =	shalt  }
0x64: {  	_ =	shalt  }
0x65: {  	_ =	shalt  }
0x66: {  	_ =	shalt  }
0x67: {  	_ =	shalt  }
0x68: {  	_ =	shalt  }
0x69: {  	_ =	shalt  }
0x6a: {  	_ =	shalt  }
0x6b: {  	_ =	shalt  }
0x6c: {  	_ =	shalt  }
0x6d: {  	_ =	shalt  }
0x6e: {  	_ =	shalt  }
0x6f: {  	_ =	shalt  }
0x70: {  	_ =	shalt  }
0x71: {  	_ =	shalt  }
0x72: {  	_ =	shalt  }
0x73: {  	_ =	shalt  }
0x74: {  	_ =	shalt  }
0x75: {  	_ =	shalt  }
0x76: {  	_ =	shalt  }
0x77: {  	_ =	shalt  }
0x78: {  	_ =	shalt  }
0x79: {  	_ =	shalt  }
0x7a: {  	_ =	shalt  }
0x7b: {  	_ =	shalt  }
0x7c: {  	_ =	shalt  }
0x7d: {  	_ =	shalt  }
0x7e: {  	_ =	shalt  }
0x7f: {  	_ =	shalt  }
0x80: {  	_ =	shalt  }
0x81: {  	_ =	shalt  }
0x82: {  	_ =	shalt  }
0x83: {  	_ =	shalt  }
0x84: {  	_ =	shalt  }
0x85: {  	_ =	shalt  }
0x86: {  	_ =	shalt  }
0x87: {  	_ =	shalt  }
.Lfunc_end0:
.L_simem_size_0:
called_computation.2_lowered:
.L_overlay_start_0:
0x88: {  	s2 =	sld [smem:$0x3FD9]  }
0x89: {  	s3 =	sld [smem:$0x3FFE];
	_ =	sdelay $0x1  }
0x8a: {  	s1 =	srdreg.scid  }
0x8b: {  	s0 =	sand.u32 $0x1, s1  }
0x8c: {  	s16 =	sshll.u32 s0, $0xA;
	s2 =	sadd.s32 s3, s2  }
0x8d: {  	s2 =	sadd.s32 s2, s16  }
0x8e: {  	[smem:$0x3FB2] =	sst s2  }
0x8f: {  	_ = 	snop  }
0x90: {  	(tm) =	ssettm $0x1  }
0x91: {  	s17 =	sld [smem:$0x3FFB];
	_ =	sdelay $0x3  }
0x92: {  	_ =	strace s17  }
0x93: {  	s2 =	sld [smem:$0x3FFC];
	_ =	sdelay $0x3  }
0x94: {  	_ =	strace s2  }
0x95: {  	s2 =	sld [smem:$0x3FFD];
	_ =	sdelay $0x3  }
0x96: {  	_ =	strace s2  }
0x97: {  	_ =	strace $0x8FFFFFFF  }
0x98: {  	s18 =	sld [smem:$0x3FDB];
	_ =	sdelay $0x1  }
0x99: {  	s19 =	simm.s32 $_scs_section_size  }
0x9a: {  	s4 =	simm.s32 $_size__tile_overlayer_lowered;
	s5 =	simm.s32 $_tile_overlayer_lowered  }
0x9b: {  	s22 =	simm.s32 $0x1BFF;
	s21 =	sshll.u32 s5, $0x1;
	s2 =	sadd.s32 s19, s18  }
0x9c: {  	s6 =	simm.s32 $0x0;
	s20 =	sshll.u32 s4, $0x1;
	s4 =	sadd.s32 s21, s2  }
0x9d: {  	[timem:s6], [sflag:s22] =	dma.local [hbm:s4], s20  }
0x9e: {  	_ =	swait.ge [sflag:s22], s20  }
0x9f: {  	s3 =	ssub.s32 $0x0, s20;
	[sflag:s22] =	ssyncset.done $0x0  }
0xa0: {  	[sflag:s22] =	ssyncadd.s32 s3;
	_ =	sdelay $0x1  }
0xa1: {  	s23 =	simm.s32 $0x1B8B  }
0xa2: {  	_ =	swait.ge [sflag:s23], $0x1  }
0xa3: {  	[sflag:s23] =	ssyncset.done $0x0  }
0xa4: {  	s25 =	simm.s32 $0x1B8E;
	s24 =	sld [smem:$0x3FFE];
	[sflag:s23] =	ssyncadd.s32 $0xFFFFFFFF  }
0xa5: {  	s26 =	simm.s32 $execute0_lowered;
	[smem:$0x3FD2] =	sst s25  }
0xa6: {  	s4 =	sshll.u32 s26, $0x1;
	_ =	strace $0x8000004C;
	[dreg:$0x1] =	wrdreg $0xFFFFFFFF  }
0xa7: {  	s28 =	simm.s32 $_size_execute0_lowered;
	s2 =	sadd.s32 s2, s4;
	[dreg:$0x0] =	wrdreg $0x0  }
0xa8: {  	s4 =	sshll.u32 s28, $0x1;
	[dreg:$0x2] =	wrdreg s2  }
0xa9: {  	[dreg:$0x3] =	wrdreg s4  }
0xaa: {  	[dreg:$0x4] =	wrdreg $0xC0  }
0xab: {  	_ =	task [dreg:s6], $0x5FFFF  }
0xac: {  	[dreg:$0x1] =	wrdreg $0xFFFFFFFF  }
0xad: {  	[dreg:$0x0] =	wrdreg $0x60  }
0xae: {  	[dreg:$0x2] =	wrdreg s24  }
0xaf: {  	[dreg:$0x3] =	wrdreg $0x35300  }
0xb0: {  	[dreg:$0x4] =	wrdreg $0x9  }
0xb1: {  	_ =	task.clear_ibuf [dreg:s6], $0x5FFFF;
	_ =	strace $0x9000004C  }
0xb2: {  	s29 =	simm.s32 $0x9;
	_ =	strace $0x8000004E  }
0xb3: {  	_ =	swait.ge [sflag:s29], $0x1  }
0xb4: {  	[sflag:s29] =	ssyncadd.s32 $0xFFFFFFFF  }
0xb5: {  	_ =	strace $0x9000004E  }
0xb6: {  	_ =	sfence  }
0xb7: {  	s30 =	sld [smem:$0x0];
	_ =	sdelay $0x2  }
0xb8: {  	s31 =	sshll.u32 s1, $0xD;
	s1 =	sshrl.u32 s1, $0x2  }
0xb9: {  	s3 =	sand.u32 $0x4000, s31;
	s1 =	sadd.s32 s1, s30  }
0xba: {  	s0 =	sor.u32 s3, s0;
	s1 =	sshll.u32 s1, $0x11  }
0xbb: {  	s0 =	sor.u32 s1, s0  }
0xbc: {  	s0 =	sadd.s32 $0x8F2B, s0  }
0xbd: {  	[sflag:s0] =	ssyncadd.remote.s32 $0x1  }
0xbe: {  	_ =	sfence.sel $0xFFFF  }
0xbf: {  	[dreg:$0x0] =	wrdreg $0xFFFFFFFF;
	(pc) =	sbr.abs _section_cstart, $3  }
0xc0: {  	[dreg:$0x1] =	wrdreg $0xFFFFFFFF  }
0xc1: {  	_ =	task.clear_ibuf [dreg:s6], $0x2FFFF;
	_ =	strace $0x9FFFFFFF  }
0xc2: {  	(tm) =	ssettm $0x7FFFFFFF  }
0xc3: {  	_ =	shalt  }
tec
execute0_lowered:
.L_overlay_start_1:
0x0: {  	(tag) =	ssettag $0x1  }
0x1: {  	s9 =	rddreg [dreg:$0x0]  }
0x2: {  	s1 =	rddreg [dreg:$0x1]  }
0x3: {  	s2 =	simm.s32 $0x0;
	s14 =	stileid.u32;
	s5 =	srdreg.scid  }
0x4: {  	s19 =	simm.s32 $0x19A0;
	s20 =	simm.s32 $0x1;
	s21 =	simm.s32 $0x2  }
0x5: {  	s22 =	simm.s32 $0x1C20;
	s23 =	simm.s32 $0x3520;
	[smem:$0x7FF] =	sst s2  }
0x6: {  	s10 =	smul.u32 $0xC300, s14;
	s3 =	sadd.s32 $0x28200, s9;
	s4 =	sadd.s32 $0x1E400, s9  }
0x7: {  	s7 =	sand.u32 $0x1, s5;
	s5 =	sadd.s32 $0x3400, s9;
	s6 =	sadd.s32 $0x1BC00, s9  }
0x8: {  	s13 =	sadd.s32 $0x4A800, s9;
	s28 =	sshll.u32 s14, $0x1;
	s29 =	sshll.u32 s14, $0x6  }
0x9: {  	s18 =	sadd.s32 $0xC3000, s1;
	p0 =	sne.s32 s14, $0x0;
	_ =	strace $0x8000004D  }
0xa: {  	s11 =	ssub.s32 $0x2, s7;
	s16 =	smul.u32 $0xC3500, s7;
	s8 =	sshrl.u32 s10, $0x3  }
0xb: {  	s12 =	sshrl.u32 s11, $0x1;
	s17 =	sadd.s32 s10, s1;
	s8 =	sadd.s32 s8, s9  }
0xc: {  	v2 =	vlaneseq.u32;
	s15 =	ssub.s32 s11, s12;
	s11 =	sor.u32 s7, s28;
	s10 =	sadd.s32 s10, s16  }
0xd: {  	v0 =	vshrl.u32 v2, $0x3;
	s30 =	sshrl.u32 s16, $0x3;
	s9 =	sadd.s32 $0x4A600, s9;
	s14 =	sshrl.u32 s17, $0x3  }
0xe: {  	v9 =	vor.u32 $0xE, v0;
	s16 =	sshrl.u32 @!p0 s18, $0x3;
	s17 =	simm.s32 $0x50;
	s18 =	simm.s32 $0xA0  }
0xf: {  	v1 =	vimm.f32 $0.0e+00;
	v8 =	vor.u32 $0x6, v0;
	s7 =	sadd.s32 $0x32000, s8;
	s8 =	sor.u32 $0x1C03, s29;
	s31 =	sshrl.u32 s10, $0x3  }
0x10: {  	v2 =	vand.u32 $0x7, v2;
	v3 =	vor.u32 $0x8, v0;
	v4 =	vor.u32 $0x2, v0;
	s12 =	sadd.s32 s13, s30;
	s10 =	smul.u32 $0x2710, s11;
	s11 =	sadd.s32 s13, s31  }
0x11: {  	v5 =	vor.u32 $0xA, v0;
	v6 =	vor.u32 $0x4, v0;
	v7 =	vor.u32 $0xC, v0;
	s12 =	sadd.s32 $0x18600, s12;
	s13 =	smax.u32 s15, $0x1;
	s15 =	simm.s32 $0x3  }
.LBB2_1:
0x12: {  	[spmem:s14], [sflag:s8] =	dma.local [hbm:s7], $0x1860  }
0x13: {  	_ =	swait.ge [sflag:s15], $0x1860  }
0x14: {  	[sflag:s15] =	ssyncset.done $0x0  }
0x15: {  	s24 =	simm.s32 @!p0 $0x3;
	[sflag:s15] =	ssyncadd.s32 $0xFFFFE7A0  }
0x16: {  	[spmem:s16], [sflag:s8] =	dma.local @!p0 [hbm:s9], $0xA0  }
0x17: {  	_ =	swait.ge @!p0 [sflag:s24], $0xA0  }
0x18: {  	[sflag:s24] =	ssyncset.done @!p0 $0x0  }
0x19: {  	s25 =	simm.s32 $0x40;
	[sflag:s24] =	ssyncadd.s32 @!p0 $0xFFFFFF60;
	s24 =	simm.s32 $0x240  }
.LBB2_2:
0x1a: {  	p1 =	sne.s32 s24, $0x63C0;
	[tilespmem:s25+$0x1C20] =	vst v1;
	s25 =	smov.u32 s24;
	s24 =	sadd.s32 $0x140, s24  }
.Ltmp0:
0x1b: {  	(pc) =	sbr.rel @p1 .LBB2_2-.Ltmp0, $2  }
0x1c: {  	_ =	sdelay $0x2  }
0x1d: {  	s25 =	sshra.s32 s25, $0x2  }
0x1e: {  	[tilespmem:s25+$0x1C20] =	vst v1  }
0x1f: {  	s24 =	simm.s32 $0x0;
	s25 =	simm.s32 $0x0;
	[bflag:$0x0] =	sbarrier.arrive $0xFFFF  }
.LBB2_4:
0x20: {  	s26 =	smul.u32 $0x50, s25;
	_ =	sdelay $0x1  }
0x21: {  	s26 =	sadd.s32 s10, s26  }
0x22: {  	s26 =	sshrl.u32 s26, $0x3  }
0x23: {  	s28 =	sadd.s32 s3, s26  }
0x24: {  	[tilespmem:s24], [sflag:$0x3] =	stream.linear.gather [hbm4b:s28+s24], $0x50, $0x38;
	[tilespmem:$0xF880] =	vst v63  }
0x25: {  	_ =	swait.ge [sflag:s15], $0x50  }
0x26: {  	[sflag:s15] =	ssyncset.done $0x0  }
0x27: {  	s26 =	sadd.s32 s4, s26;
	[sflag:s15] =	ssyncadd.s32 $0xFFFFFFB0  }
0x28: {  	[tilespmem:s17], [sflag:$0x3] =	stream.linear.gather [hbm4b:s26+s24], $0x50, $0x38;
	[tilespmem:$0xF880] =	vst v63  }
0x29: {  	_ =	swait.ge [sflag:s15], $0x50  }
0x2a: {  	[sflag:s15] =	ssyncset.done $0x0  }
0x2b: {  	[sflag:s15] =	ssyncadd.s32 $0xFFFFFFB0  }
0x2c: {  	[tilespmem:s18], [sflag:$0x1] =	stream.indirect.gather [hbm4b:s5+s17], $0x50, s24, s17, $0xb8;
	[tilespmem:$0xF880] =	vst v63  }
0x2d: {  	v10 =	vor.u32 s24, v0  }
0x2e: {  	v11 =	vmul.u32 $0x50, v10;
	[tilespmem:s19], [sflag:$0x2] =	stream.indirect.gather [hbm4b:s6+s17], $0x8, s17, s17, $0xb8;
	[tilespmem:$0xF880] =	vst v63  }
0x2f: {  	_ =	swait.ge [sflag:s20], $0x1900  }
0x30: {  	v10 =	vshll.u32 v10, $0x3;
	v11 =	vor.u32 v2, v11;
	[sflag:s20] =	ssyncset.done $0x0  }
0x31: {  	v10 =	vor.u32 v2, v10;
	[sflag:s20] =	ssyncadd.s32 $0xFFFFE700  }
0x32: {  	_ =	swait.ge [sflag:s21], $0x280  }
0x33: {  	[sflag:s21] =	ssyncset.done $0x0  }
0x34: {  	[sflag:s21] =	ssyncadd.s32 $0xFFFFFD80  }
0x35: {  	v12 =	vld.idx.msk [tilespmem:v11+s18+$0x0], $0xffff  }
0x36: {  	v10 =	vld.idx.msk [tilespmem:v10+s19+$0x0], $0xffff;
	_ =	sdelay $0x4  }
0x37: {  	v10 =	vadd.f32 v10, v12;
	_ =	sdelay $0x1  }
0x38: {  	v12 =	vmul.f32 $2.000000030e-01, v10;
	_ =	sdelay $0x1  }
0x39: {  	v10 =	vmax.f32 v10, v12  }
0x3a: {  	v10 =	vmul.f32 $1.442695020e+00, v10;
	_ =	sdelay $0x1  }
0x3b: {  	(erf) = vpow2.f32 v10;
	_ =	sdelay $0x8  }
0x3c: {  	v10 =	vpop (erf)  }
0x3d: {  	[tilespmem:$0x3520] =	vst v10  }
0x3e: {  	[tilespmem:v11+s22+$0x0] =	vst.idx.msk $0xffff, v10  }
0x3f: {  	s26 =	simm.s32 $0xF8;
	v10 =	vld.idx.msk [tilespmem:v0+s23+$0x0], $0xffff  }
0x40: {  	v11 =	vld [tilespmem:s26+$0xFFFFFFB0]  }
0x41: {  	v59 =	vld.idx.msk [tilespmem:v3+s23+$0x0], $0xffff  }
0x42: {  	v13 =	vld [tilespmem:s26+$0x0];
	_ =	sdelay $0x3  }
0x43: {  	v10 =	vmul.f32 v11, v10  }
0x44: {  	s28 =	simm.s32 $0x1C78;
	v11 =	vmul.f32 v13, v59  }
0x45: {  	[tilespmem:s28+$0xFFFFFFB0] =	vst v10  }
0x46: {  	[tilespmem:s28+$0x0] =	vst v11  }
0x47: {  	v10 =	vld [tilespmem:s26+$0x10]  }
0x48: {  	v11 =	vld.idx.msk [tilespmem:v5+s23+$0x0], $0xffff  }
0x49: {  	v60 =	vld.idx.msk [tilespmem:v4+s23+$0x0], $0xffff  }
0x4a: {  	v61 =	vld [tilespmem:s26+$0xFFFFFFC0];
	_ =	sdelay $0x3  }
0x4b: {  	v10 =	vmul.f32 v10, v11  }
0x4c: {  	v11 =	vmul.f32 v61, v60  }
0x4d: {  	[tilespmem:s28+$0x10] =	vst v10  }
0x4e: {  	[tilespmem:s28+$0xFFFFFFC0] =	vst v11  }
0x4f: {  	v10 =	vld.idx.msk [tilespmem:v6+s23+$0x0], $0xffff  }
0x50: {  	v11 =	vld.idx.msk [tilespmem:v7+s23+$0x0], $0xffff  }
0x51: {  	v62 =	vld [tilespmem:s26+$0x20]  }
0x52: {  	v63 =	vld [tilespmem:s26+$0xFFFFFFD0];
	_ =	sdelay $0x3  }
0x53: {  	v11 =	vmul.f32 v62, v11  }
0x54: {  	v10 =	vmul.f32 v63, v10  }
0x55: {  	[tilespmem:s28+$0x20] =	vst v11  }
0x56: {  	s30 =	simm.s32 $0x2;
	s31 =	simm.s32 $0xF8;
	s29 =	simm.s32 $0x1C78;
	[tilespmem:s28+$0xFFFFFFD0] =	vst v10  }
.LBB2_5:
0x57: {  	p1 =	sne.s32 s30, $0x4E;
	v10 =	vld [tilespmem:s26+$0x30];
	s31 =	sadd.s32 $0xA0, s31;
	s28 =	sadd.s32 $0xA0, s28  }
0x58: {  	s0 =	smov.u32 s30;
	s30 =	sadd.s32 $0x2, s30;
	v11 =	vld.idx.msk [tilespmem:v9+s23+$0x0], $0xffff  }
0x59: {  	v12 =	vor.u32 s0, v0;
	v13 =	vld.idx.msk [tilespmem:v8+s23+$0x0], $0xffff  }
0x5a: {  	v14 =	vmul.u32 $0x50, v12;
	v12 =	vshll.u32 v12, $0x3;
	v15 =	vld [tilespmem:s26+$0xFFFFFFE0];
	s26 =	smov.u32 s31  }
0x5b: {  	v12 =	vor.u32 v2, v12  }
0x5c: {  	v14 =	vor.u32 v2, v14;
	_ =	sdelay $0x1  }
0x5d: {  	v10 =	vmul.f32 v10, v11  }
0x5e: {  	v11 =	vmul.f32 v15, v13  }
0x5f: {  	[tilespmem:s29+$0x30] =	vst v10  }
0x60: {  	[tilespmem:s29+$0xFFFFFFE0] =	vst v11;
	s29 =	smov.u32 s28  }
0x61: {  	v10 =	vld.idx.msk [tilespmem:v14+s18+$0x0], $0xffff  }
0x62: {  	v11 =	vld.idx.msk [tilespmem:v12+s19+$0x0], $0xffff;
	_ =	sdelay $0x5  }
0x63: {  	v10 =	vadd.f32 v11, v10;
	_ =	sdelay $0x1  }
0x64: {  	v11 =	vmul.f32 $2.000000030e-01, v10;
	_ =	sdelay $0x1  }
0x65: {  	v10 =	vmax.f32 v10, v11  }
0x66: {  	v10 =	vmul.f32 $1.442695020e+00, v10;
	_ =	sdelay $0x1  }
0x67: {  	(erf) = vpow2.f32 v10;
	_ =	sdelay $0x8  }
0x68: {  	v10 =	vpop (erf)  }
0x69: {  	[tilespmem:$0x3520] =	vst v10  }
0x6a: {  	[tilespmem:v14+s22+$0x0] =	vst.idx.msk $0xffff, v10  }
0x6b: {  	v10 =	vld.idx.msk [tilespmem:v0+s23+$0x0], $0xffff  }
0x6c: {  	v11 =	vld [tilespmem:s31+$0xFFFFFFB0]  }
0x6d: {  	v12 =	vld.idx.msk [tilespmem:v3+s23+$0x0], $0xffff  }
0x6e: {  	v13 =	vld [tilespmem:s31+$0x0];
	_ =	sdelay $0x2  }
0x6f: {  	v10 =	vmul.f32 v11, v10;
	_ =	sdelay $0x1  }
0x70: {  	[tilespmem:s28+$0xFFFFFFB0] =	vst v10;
	v10 =	vmul.f32 v13, v12;
	_ =	sdelay $0x1  }
0x71: {  	[tilespmem:s28+$0x0] =	vst v10  }
0x72: {  	v10 =	vld [tilespmem:s31+$0x10]  }
0x73: {  	v11 =	vld.idx.msk [tilespmem:v5+s23+$0x0], $0xffff  }
0x74: {  	v12 =	vld.idx.msk [tilespmem:v4+s23+$0x0], $0xffff  }
0x75: {  	v13 =	vld [tilespmem:s31+$0xFFFFFFC0];
	_ =	sdelay $0x3  }
0x76: {  	v10 =	vmul.f32 v10, v11  }
0x77: {  	v11 =	vmul.f32 v13, v12  }
0x78: {  	[tilespmem:s28+$0x10] =	vst v10  }
0x79: {  	[tilespmem:s28+$0xFFFFFFC0] =	vst v11  }
0x7a: {  	v10 =	vld.idx.msk [tilespmem:v6+s23+$0x0], $0xffff  }
0x7b: {  	v11 =	vld.idx.msk [tilespmem:v7+s23+$0x0], $0xffff  }
0x7c: {  	v12 =	vld [tilespmem:s31+$0x20]  }
0x7d: {  	v13 =	vld [tilespmem:s31+$0xFFFFFFD0];
	_ =	sdelay $0x2  }
.Ltmp1:
0x7e: {  	(pc) =	sbr.rel @p1 .LBB2_5-.Ltmp1, $4  }
0x7f: {  	v11 =	vmul.f32 v12, v11  }
0x80: {  	v10 =	vmul.f32 v13, v10  }
0x81: {  	[tilespmem:s28+$0x20] =	vst v11  }
0x82: {  	[tilespmem:s28+$0xFFFFFFD0] =	vst v10  }
0x83: {  	_ =	sdelay $0x2  }
0x84: {  	v10 =	vld [tilespmem:s26+$0x30]  }
0x85: {  	v11 =	vld.idx.msk [tilespmem:v9+s23+$0x0], $0xffff  }
0x86: {  	v12 =	vld.idx.msk [tilespmem:v8+s23+$0x0], $0xffff  }
0x87: {  	v13 =	vld [tilespmem:s26+$0xFFFFFFE0];
	_ =	sdelay $0x3  }
0x88: {  	v10 =	vmul.f32 v10, v11  }
0x89: {  	s25 =	sadd.s32 $0x1, s25;
	v11 =	vmul.f32 v13, v12  }
0x8a: {  	p1 =	sne.s32 s25, $0x7D;
	[tilespmem:s29+$0x30] =	vst v10  }
.Ltmp2:
0x8b: {  	[tilespmem:s29+$0xFFFFFFE0] =	vst v11;
	(pc) =	sbr.rel @p1 .LBB2_4-.Ltmp2, $4  }
0x8c: {  	[spmem:s1] =	stream.indirect.scatter.add.f32 [tilespmem:s22], [sflag:$0x3], $0x50, s17, s17, $0xb8;
	[tilespmem:$0xF880] =	vst v63  }
0x8d: {  	_ =	swait.ge [sflag:s15], $0x1900  }
0x8e: {  	[sflag:s15] =	ssyncset.done $0x0  }
0x8f: {  	[sflag:s15] =	ssyncadd.s32 $0xFFFFE700  }
0x90: {  	[bflag:$0x0] =	sbarrier.arrive $0xFFFF  }
0x91: {  	[hbm:s11], [sflag:s8] =	dma.local [spmem:s14], $0x1860  }
0x92: {  	s2 =	sadd.s32 $0x1, s2;
	_ =	swait.ge [sflag:s15], $0x1860  }
0x93: {  	p1 =	sne.s32 s2, s13;
	[sflag:s15] =	ssyncset.done $0x0  }
.Ltmp3:
0x94: {  	s0 =	simm.s32 @!p0 $0x3;
	[sflag:s15] =	ssyncadd.s32 $0xFFFFE7A0;
	(pc) =	sbr.rel @p1 .LBB2_1-.Ltmp3, $4  }
0x95: {  	[hbm:s12], [sflag:s8] =	dma.local @!p0 [spmem:s16], $0xA0  }
0x96: {  	_ =	swait.ge @!p0 [sflag:s0], $0xA0  }
0x97: {  	[sflag:s0] =	ssyncset.done @!p0 $0x0  }
0x98: {  	[sflag:s0] =	ssyncadd.s32 @!p0 $0xFFFFFF60  }
0x99: {  	_ =	sfence.sel $0x180000  }
0x9a: {  	[bflag:$0x0] =	sbarrier.arrive $0xFFFF  }
0x9b: {  	_ =	strace $0x9000004D  }
0x9c: {  	[bflag:$0x2] =	sbarrier.arrive $0xFFFF  }
0x9d: {  	s0 =	rddreg [dreg:$0x2]  }
0x9e: {  	s0 =	sadd.s32 @!p0 $0x100000, s0  }
0x9f: {  	[sflag:s0] =	ssyncadd.tile.s32 @!p0 $0x1;
	_ =	shalt  }
.Lfunc_end2:
_tile_overlayer_lowered:
.L_overlay_start_2:
0xa0: {  	(tag) =	ssettag $0x2  }
0xa1: {  	s0 =	rddreg [dreg:$0x0];
	s2 =	stileid.u32  }
0xa2: {  	s1 =	rddreg [dreg:$0x1];
	p0 =	sne.s32 s2, $0x0  }
0xa3: {  	s3 =	rddreg [dreg:$0x2];
	[bflag:$0x3] =	sbarrier.arrive $0xFFFF;
	s2 =	simm.s32 @!p0 $0x1C03  }
0xa4: {  	[timem:s3], [sflag:s2] =	dma.local @!p0 [hbm:s0], s1  }
0xa5: {  	s0 =	simm.s32 @!p0 $0x3  }
0xa6: {  	_ =	swait.ge @!p0 [sflag:s0], s1  }
0xa7: {  	s1 =	ssub.s32 @!p0 $0x0, s1;
	[sflag:s0] =	ssyncset.done @!p0 $0x0  }
0xa8: {  	[sflag:s0] =	ssyncadd.s32 @!p0 s1  }
0xa9: {  	[bflag:$0x3] =	sbarrier.arrive $0xFFFF  }
0xaa: {  	_ =	shalt  }

// kernel: kernel.9.cloned.1.call-start
scs
__scs_entry_jumppad:
0x0: {  	(pc) =	sbr.rel $0x88, $3  }
0x1: {  	(tag) =	ssettag $0x0;
	lr =	simm.s32 $0x1  }
0x2: {  	[smem:$0x3F8B] =	sst lr;
	_ =	strace $0xD0000000  }
0x3: {  	_ = 	snop  }
0x4: {  	_ = 	snop  }
0x5: {  	_ = 	snop  }
0x6: {  	_ = 	snop  }
0x7: {  	_ = 	snop  }
__scs_overlays_trampoline_lowered:
0x8: {  	[smem:$0x3F9A] =	sst s0  }
0x9: {  	[smem:$0x3F9B] =	sst s1  }
0xa: {  	[smem:$0x3F9C] =	sst s2  }
0xb: {  	[smem:$0x3F9D] =	sst s3  }
0xc: {  	[smem:$0x3F9E] =	sst s4  }
0xd: {  	[smem:$0x3F9F] =	sst s5  }
0xe: {  	[smem:$0x3FA0] =	sst s6  }
0xf: {  	[smem:$0x3FA1] =	sst s7  }
0x10: {  	[smem:$0x3FA2] =	sst s8  }
0x11: {  	[smem:$0x3FA3] =	sst s9;
	s0 =	simm.s32 @!p0 $0x0  }
0x12: {  	s1 =	sld [smem:$0x3F89];
	s0 =	simm.s32 @p0 $0x1  }
0x13: {  	[smem:$0x3FA4] =	sst s0;
	s0 =	simm.s32 @!p1 $0x0  }
0x14: {  	s2 =	sld [smem:$0x3F88];
	s0 =	simm.s32 @p1 $0x1  }
0x15: {  	[smem:$0x3FA5] =	sst s0;
	s0 =	simm.s32 @!p2 $0x0  }
0x16: {  	s3 =	sld [smem:$0x3FDB];
	s0 =	simm.s32 @p2 $0x1  }
0x17: {  	s4 =	simm.s32 $0x1BF5;
	[smem:$0x3FA7] =	sst s0  }
0x18: {  	s0 =	sld [smem:$0x3F8A];
	_ =	swait.ge [sflag:s4], $0x0  }
0x19: {  	s7 =	sld [smem:$0x3F8B]  }
0x1a: {  	s8 =	sadd.s32 $0xFFFFE003, lr  }
0x1b: {  	s9 =	sadd.s32 $0xFFFFFEF7, lr;
	s5 =	simm.s32 $0xFFFFFFFF;
	p2 =	slt.u32 s8, $0xFFFFF086  }
0x1c: {  	p1 =	slt.u32 s9, $0xF7A;
	s5 =	simm.s32 @!p2 $0x0  }
0x1d: {  	s5 =	simm.s32 @p1 $0x1;
	p0 =	seq.s32 s7, s2  }
0x1e: {  	s7 =	smul.u32 @!p0 $0xF7A, s2;
	p2 =	seq.s32 @!p0 s5, $0x0  }
0x1f: {  	s9 =	smul.u32 $0xF7A, s1;
	s8 =	simm.s32 @!p0 $0x1BF5;
	p2 =	por !p2, p0  }
0x20: {  	[sflag:s8] =	ssyncset.s32 @!p0 $0xFFFFF086;
	s6 =	sadd.s32 @!p0 s3, s7;
	s7 =	simm.s32 @!p0 $0x108  }
0x21: {  	s3 =	sadd.s32 s3, s9;
	s6 =	sadd.s32 @!p0 $0x88, s6;
	s7 =	simm.s32 @p2 $0x1082  }
0x22: {  	[simem:s7], [sflag:s8] =	dma.local @!p0 [hbm:s6], $0xF7A  }
0x23: {  	s9 =	sor.u32 $0xD0000000, s2;
	s6 =	simm.s32 $0x108;
	_ =	swait.ge @!p0 [sflag:s8], $0x0  }
0x24: {  	s3 =	sadd.s32 $0x88, s3;
	s6 =	simm.s32 @!p1 $0x1082;
	[sflag:s4] =	ssyncset.s32 $0xFFFFF086  }
0x25: {  	[simem:s6], [sflag:s4] =	dma.local [hbm:s3], $0xF7A  }
0x26: {  	[smem:$0x3F8B] =	sst s1;
	(tag) =	ssettag s2;
	_ =	strace s9  }
0x27: {  	s1 =	sld [smem:$0x3F9B]  }
0x28: {  	s2 =	sld [smem:$0x3F9C]  }
0x29: {  	s4 =	sld [smem:$0x3F9E]  }
0x2a: {  	p0 =	seq.s32 s5, $0x0;
	s5 =	sld [smem:$0x3F9F]  }
0x2b: {  	s6 =	sld [smem:$0x3FA0]  }
0x2c: {  	s7 =	sld [smem:$0x3FA1]  }
0x2d: {  	s3 =	simm.s32 $0x108;
	s8 =	sld [smem:$0x3FA2]  }
0x2e: {  	s3 =	simm.s32 @!p0 $0x1082;
	s9 =	sld [smem:$0x3FA3]  }
0x2f: {  	lr =	sadd.s32 s0, s3;
	s0 =	sld [smem:$0x3F9A]  }
0x30: {  	s3 =	sld [smem:$0x3F9D]  }
0x31: {  	[smem:$0x3FA6] =	sst s10  }
0x32: {  	s10 =	sld [smem:$0x3FA4];
	_ =	sdelay $0x3  }
0x33: {  	p0 =	seq.s32 s10, $0x1;
	s10 =	sld [smem:$0x3FA6];
	_ =	sdelay $0x3  }
0x34: {  	[smem:$0x3FA6] =	sst s10  }
0x35: {  	s10 =	sld [smem:$0x3FA5];
	_ =	sdelay $0x3  }
0x36: {  	p1 =	seq.s32 s10, $0x1;
	s10 =	sld [smem:$0x3FA6];
	_ =	sdelay $0x3  }
0x37: {  	[smem:$0x3FA6] =	sst s10  }
0x38: {  	s10 =	sld [smem:$0x3FA7]  }
0x39: {  	_ = 	snop;
	(pc) =	sbr.ind lr, $3  }
0x3a: {  	_ = 	snop  }
0x3b: {  	_ = 	snop  }
0x3c: {  	p2 =	seq.s32 s10, $0x1;
	s10 =	sld [smem:$0x3FA6]  }
0x3d: {  	_ =	shalt  }
0x3e: {  	_ =	shalt  }
0x3f: {  	_ =	shalt  }
0x40: {  	_ =	shalt  }
0x41: {  	_ =	shalt  }
0x42: {  	_ =	shalt  }
0x43: {  	_ =	shalt  }
0x44: {  	_ =	shalt  }
0x45: {  	_ =	shalt  }
0x46: {  	_ =	shalt  }
0x47: {  	_ =	shalt  }
0x48: {  	_ =	shalt  }
0x49: {  	_ =	shalt  }
0x4a: {  	_ =	shalt  }
0x4b: {  	_ =	shalt  }
0x4c: {  	_ =	shalt  }
0x4d: {  	_ =	shalt  }
0x4e: {  	_ =	shalt  }
0x4f: {  	_ =	shalt  }
0x50: {  	_ =	shalt  }
0x51: {  	_ =	shalt  }
0x52: {  	_ =	shalt  }
0x53: {  	_ =	shalt  }
0x54: {  	_ =	shalt  }
0x55: {  	_ =	shalt  }
0x56: {  	_ =	shalt  }
0x57: {  	_ =	shalt  }
0x58: {  	_ =	shalt  }
0x59: {  	_ =	shalt  }
0x5a: {  	_ =	shalt  }
0x5b: {  	_ =	shalt  }
0x5c: {  	_ =	shalt  }
0x5d: {  	_ =	shalt  }
0x5e: {  	_ =	shalt  }
0x5f: {  	_ =	shalt  }
0x60: {  	_ =	shalt  }
0x61: {  	_ =	shalt  }
0x62: {  	_ =	shalt  }
0x63: {  	_ =	shalt  }
0x64: {  	_ =	shalt  }
0x65: {  	_ =	shalt  }
0x66: {  	_ =	shalt  }
0x67: {  	_ =	shalt  }
0x68: {  	_ =	shalt  }
0x69: {  	_ =	shalt  }
0x6a: {  	_ =	shalt  }
0x6b: {  	_ =	shalt  }
0x6c: {  	_ =	shalt  }
0x6d: {  	_ =	shalt  }
0x6e: {  	_ =	shalt  }
0x6f: {  	_ =	shalt  }
0x70: {  	_ =	shalt  }
0x71: {  	_ =	shalt  }
0x72: {  	_ =	shalt  }
0x73: {  	_ =	shalt  }
0x74: {  	_ =	shalt  }
0x75: {  	_ =	shalt  }
0x76: {  	_ =	shalt  }
0x77: {  	_ =	shalt  }
0x78: {  	_ =	shalt  }
0x79: {  	_ =	shalt  }
0x7a: {  	_ =	shalt  }
0x7b: {  	_ =	shalt  }
0x7c: {  	_ =	shalt  }
0x7d: {  	_ =	shalt  }
0x7e: {  	_ =	shalt  }
0x7f: {  	_ =	shalt  }
0x80: {  	_ =	shalt  }
0x81: {  	_ =	shalt  }
0x82: {  	_ =	shalt  }
0x83: {  	_ =	shalt  }
0x84: {  	_ =	shalt  }
0x85: {  	_ =	shalt  }
0x86: {  	_ =	shalt  }
0x87: {  	_ =	shalt  }
.Lfunc_end0:
.L_simem_size_0:
called_computation_lowered:
.L_overlay_start_0:
0x88: {  	s2 =	sld [smem:$0x3FD9]  }
0x89: {  	s3 =	sld [smem:$0x3FFE];
	_ =	sdelay $0x1  }
0x8a: {  	s1 =	srdreg.scid  }
0x8b: {  	s0 =	sand.u32 $0x1, s1  }
0x8c: {  	s16 =	sshll.u32 s0, $0xA;
	s2 =	sadd.s32 s3, s2  }
0x8d: {  	s2 =	sadd.s32 s2, s16  }
0x8e: {  	[smem:$0x3FB2] =	sst s2  }
0x8f: {  	_ = 	snop  }
0x90: {  	(tm) =	ssettm $0x1  }
0x91: {  	s17 =	sld [smem:$0x3FFB];
	_ =	sdelay $0x3  }
0x92: {  	_ =	strace s17  }
0x93: {  	s2 =	sld [smem:$0x3FFC];
	_ =	sdelay $0x3  }
0x94: {  	_ =	strace s2  }
0x95: {  	s2 =	sld [smem:$0x3FFD];
	_ =	sdelay $0x3  }
0x96: {  	_ =	strace s2  }
0x97: {  	_ =	strace $0x8FFFFFFF  }
0x98: {  	s18 =	sld [smem:$0x3FDB];
	_ =	sdelay $0x1  }
0x99: {  	s19 =	simm.s32 $_scs_section_size  }
0x9a: {  	s4 =	simm.s32 $_size__tile_overlayer_lowered;
	s5 =	simm.s32 $_tile_overlayer_lowered  }
0x9b: {  	s22 =	simm.s32 $0x1BFF;
	s21 =	sshll.u32 s5, $0x1;
	s2 =	sadd.s32 s19, s18  }
0x9c: {  	s6 =	simm.s32 $0x0;
	s20 =	sshll.u32 s4, $0x1;
	s4 =	sadd.s32 s21, s2  }
0x9d: {  	[timem:s6], [sflag:s22] =	dma.local [hbm:s4], s20  }
0x9e: {  	_ =	swait.ge [sflag:s22], s20  }
0x9f: {  	s3 =	ssub.s32 $0x0, s20;
	[sflag:s22] =	ssyncset.done $0x0  }
0xa0: {  	[sflag:s22] =	ssyncadd.s32 s3;
	_ =	sdelay $0x1  }
0xa1: {  	s23 =	simm.s32 $0x1B8B  }
0xa2: {  	_ =	swait.ge [sflag:s23], $0x1  }
0xa3: {  	[sflag:s23] =	ssyncset.done $0x0  }
0xa4: {  	s25 =	simm.s32 $0x1B8E;
	s24 =	sld [smem:$0x3FFE];
	[sflag:s23] =	ssyncadd.s32 $0xFFFFFFFF  }
0xa5: {  	s26 =	simm.s32 $execute0_lowered;
	[smem:$0x3FD2] =	sst s25  }
0xa6: {  	s4 =	sshll.u32 s26, $0x1;
	_ =	strace $0x80000046;
	[dreg:$0x1] =	wrdreg $0xFFFFFFFF  }
0xa7: {  	s28 =	simm.s32 $_size_execute0_lowered;
	s2 =	sadd.s32 s2, s4;
	[dreg:$0x0] =	wrdreg $0x0  }
0xa8: {  	s4 =	sshll.u32 s28, $0x1;
	[dreg:$0x2] =	wrdreg s2  }
0xa9: {  	[dreg:$0x3] =	wrdreg s4  }
0xaa: {  	[dreg:$0x4] =	wrdreg $0xC0  }
0xab: {  	_ =	task [dreg:s6], $0x5FFFF  }
0xac: {  	[dreg:$0x1] =	wrdreg $0xFFFFFFFF  }
0xad: {  	[dreg:$0x0] =	wrdreg $0x60  }
0xae: {  	[dreg:$0x2] =	wrdreg s24  }
0xaf: {  	[dreg:$0x3] =	wrdreg $0x35300  }
0xb0: {  	[dreg:$0x4] =	wrdreg $0x9  }
0xb1: {  	_ =	task.clear_ibuf [dreg:s6], $0x5FFFF;
	_ =	strace $0x90000046  }
0xb2: {  	s29 =	simm.s32 $0x9;
	_ =	strace $0x80000048  }
0xb3: {  	_ =	swait.ge [sflag:s29], $0x1  }
0xb4: {  	[sflag:s29] =	ssyncadd.s32 $0xFFFFFFFF  }
0xb5: {  	_ =	strace $0x90000048  }
0xb6: {  	_ =	sfence  }
0xb7: {  	s30 =	sld [smem:$0x0];
	_ =	sdelay $0x2  }
0xb8: {  	s31 =	sshll.u32 s1, $0xD;
	s1 =	sshrl.u32 s1, $0x2  }
0xb9: {  	s3 =	sand.u32 $0x4000, s31;
	s1 =	sadd.s32 s1, s30  }
0xba: {  	s0 =	sor.u32 s3, s0;
	s1 =	sshll.u32 s1, $0x11  }
0xbb: {  	s0 =	sor.u32 s1, s0  }
0xbc: {  	s0 =	sadd.s32 $0x8F2B, s0  }
0xbd: {  	[sflag:s0] =	ssyncadd.remote.s32 $0x1  }
0xbe: {  	_ =	sfence.sel $0xFFFF  }
0xbf: {  	[dreg:$0x0] =	wrdreg $0xFFFFFFFF;
	(pc) =	sbr.abs _section_cstart, $3  }
0xc0: {  	[dreg:$0x1] =	wrdreg $0xFFFFFFFF  }
0xc1: {  	_ =	task.clear_ibuf [dreg:s6], $0x2FFFF;
	_ =	strace $0x9FFFFFFF  }
0xc2: {  	(tm) =	ssettm $0x7FFFFFFF  }
0xc3: {  	_ =	shalt  }
tec
execute0_lowered:
.L_overlay_start_1:
0x0: {  	(tag) =	ssettag $0x1  }
0x1: {  	s9 =	rddreg [dreg:$0x0]  }
0x2: {  	s1 =	rddreg [dreg:$0x1]  }
0x3: {  	s2 =	simm.s32 $0x0;
	s14 =	stileid.u32;
	s5 =	srdreg.scid  }
0x4: {  	s19 =	simm.s32 $0x19A0;
	s20 =	simm.s32 $0x1;
	s21 =	simm.s32 $0x2  }
0x5: {  	s22 =	simm.s32 $0x1C20;
	s23 =	simm.s32 $0x3520;
	[smem:$0x7FF] =	sst s2  }
0x6: {  	s10 =	smul.u32 $0xC300, s14;
	s3 =	sadd.s32 $0x28200, s9;
	s4 =	sadd.s32 $0x1E400, s9  }
0x7: {  	s7 =	sand.u32 $0x1, s5;
	s5 =	sadd.s32 $0x3400, s9;
	s6 =	sadd.s32 $0x1BC00, s9  }
0x8: {  	s13 =	sadd.s32 $0x4A800, s9;
	s28 =	sshll.u32 s14, $0x1;
	s29 =	sshll.u32 s14, $0x6  }
0x9: {  	s18 =	sadd.s32 $0xC3000, s1;
	p0 =	sne.s32 s14, $0x0;
	_ =	strace $0x80000047  }
0xa: {  	s11 =	ssub.s32 $0x2, s7;
	s16 =	smul.u32 $0xC3500, s7;
	s8 =	sshrl.u32 s10, $0x3  }
0xb: {  	s12 =	sshrl.u32 s11, $0x1;
	s17 =	sadd.s32 s10, s1;
	s8 =	sadd.s32 s8, s9  }
0xc: {  	v2 =	vlaneseq.u32;
	s15 =	ssub.s32 s11, s12;
	s11 =	sor.u32 s7, s28;
	s10 =	sadd.s32 s10, s16  }
0xd: {  	v0 =	vshrl.u32 v2, $0x3;
	s30 =	sshrl.u32 s16, $0x3;
	s9 =	sadd.s32 $0x4A600, s9;
	s14 =	sshrl.u32 s17, $0x3  }
0xe: {  	v9 =	vor.u32 $0xE, v0;
	s16 =	sshrl.u32 @!p0 s18, $0x3;
	s17 =	simm.s32 $0x50;
	s18 =	simm.s32 $0xA0  }
0xf: {  	v1 =	vimm.f32 $0.0e+00;
	v8 =	vor.u32 $0x6, v0;
	s7 =	sadd.s32 $0x32000, s8;
	s8 =	sor.u32 $0x1C03, s29;
	s31 =	sshrl.u32 s10, $0x3  }
0x10: {  	v2 =	vand.u32 $0x7, v2;
	v3 =	vor.u32 $0x8, v0;
	v4 =	vor.u32 $0x2, v0;
	s12 =	sadd.s32 s13, s30;
	s10 =	smul.u32 $0x2710, s11;
	s11 =	sadd.s32 s13, s31  }
0x11: {  	v5 =	vor.u32 $0xA, v0;
	v6 =	vor.u32 $0x4, v0;
	v7 =	vor.u32 $0xC, v0;
	s12 =	sadd.s32 $0x18600, s12;
	s13 =	smax.u32 s15, $0x1;
	s15 =	simm.s32 $0x3  }
.LBB2_1:
0x12: {  	[spmem:s14], [sflag:s8] =	dma.local [hbm:s7], $0x1860  }
0x13: {  	_ =	swait.ge [sflag:s15], $0x1860  }
0x14: {  	[sflag:s15] =	ssyncset.done $0x0  }
0x15: {  	s24 =	simm.s32 @!p0 $0x3;
	[sflag:s15] =	ssyncadd.s32 $0xFFFFE7A0  }
0x16: {  	[spmem:s16], [sflag:s8] =	dma.local @!p0 [hbm:s9], $0xA0  }
0x17: {  	_ =	swait.ge @!p0 [sflag:s24], $0xA0  }
0x18: {  	[sflag:s24] =	ssyncset.done @!p0 $0x0  }
0x19: {  	s25 =	simm.s32 $0x40;
	[sflag:s24] =	ssyncadd.s32 @!p0 $0xFFFFFF60;
	s24 =	simm.s32 $0x240  }
.LBB2_2:
0x1a: {  	p1 =	sne.s32 s24, $0x63C0;
	[tilespmem:s25+$0x1C20] =	vst v1;
	s25 =	smov.u32 s24;
	s24 =	sadd.s32 $0x140, s24  }
.Ltmp0:
0x1b: {  	(pc) =	sbr.rel @p1 .LBB2_2-.Ltmp0, $2  }
0x1c: {  	_ =	sdelay $0x2  }
0x1d: {  	s25 =	sshra.s32 s25, $0x2  }
0x1e: {  	[tilespmem:s25+$0x1C20] =	vst v1  }
0x1f: {  	s24 =	simm.s32 $0x0;
	s25 =	simm.s32 $0x0;
	[bflag:$0x0] =	sbarrier.arrive $0xFFFF  }
.LBB2_4:
0x20: {  	s26 =	smul.u32 $0x50, s25;
	_ =	sdelay $0x1  }
0x21: {  	s26 =	sadd.s32 s10, s26  }
0x22: {  	s26 =	sshrl.u32 s26, $0x3  }
0x23: {  	s28 =	sadd.s32 s3, s26  }
0x24: {  	[tilespmem:s24], [sflag:$0x3] =	stream.linear.gather [hbm4b:s28+s24], $0x50, $0x38;
	[tilespmem:$0xF880] =	vst v63  }
0x25: {  	_ =	swait.ge [sflag:s15], $0x50  }
0x26: {  	[sflag:s15] =	ssyncset.done $0x0  }
0x27: {  	s26 =	sadd.s32 s4, s26;
	[sflag:s15] =	ssyncadd.s32 $0xFFFFFFB0  }
0x28: {  	[tilespmem:s17], [sflag:$0x3] =	stream.linear.gather [hbm4b:s26+s24], $0x50, $0x38;
	[tilespmem:$0xF880] =	vst v63  }
0x29: {  	_ =	swait.ge [sflag:s15], $0x50  }
0x2a: {  	[sflag:s15] =	ssyncset.done $0x0  }
0x2b: {  	[sflag:s15] =	ssyncadd.s32 $0xFFFFFFB0  }
0x2c: {  	[tilespmem:s18], [sflag:$0x1] =	stream.indirect.gather [hbm4b:s5+s17], $0x50, s24, s17, $0xb8;
	[tilespmem:$0xF880] =	vst v63  }
0x2d: {  	v10 =	vor.u32 s24, v0  }
0x2e: {  	v11 =	vmul.u32 $0x50, v10;
	[tilespmem:s19], [sflag:$0x2] =	stream.indirect.gather [hbm4b:s6+s17], $0x8, s17, s17, $0xb8;
	[tilespmem:$0xF880] =	vst v63  }
0x2f: {  	_ =	swait.ge [sflag:s20], $0x1900  }
0x30: {  	v10 =	vshll.u32 v10, $0x3;
	v11 =	vor.u32 v2, v11;
	[sflag:s20] =	ssyncset.done $0x0  }
0x31: {  	v10 =	vor.u32 v2, v10;
	[sflag:s20] =	ssyncadd.s32 $0xFFFFE700  }
0x32: {  	_ =	swait.ge [sflag:s21], $0x280  }
0x33: {  	[sflag:s21] =	ssyncset.done $0x0  }
0x34: {  	[sflag:s21] =	ssyncadd.s32 $0xFFFFFD80  }
0x35: {  	v12 =	vld.idx.msk [tilespmem:v11+s18+$0x0], $0xffff  }
0x36: {  	v10 =	vld.idx.msk [tilespmem:v10+s19+$0x0], $0xffff;
	_ =	sdelay $0x4  }
0x37: {  	v10 =	vadd.f32 v10, v12;
	_ =	sdelay $0x1  }
0x38: {  	v12 =	vmul.f32 $2.000000030e-01, v10;
	_ =	sdelay $0x1  }
0x39: {  	v10 =	vmax.f32 v10, v12  }
0x3a: {  	v10 =	vmul.f32 $1.442695020e+00, v10;
	_ =	sdelay $0x1  }
0x3b: {  	(erf) = vpow2.f32 v10;
	_ =	sdelay $0x8  }
0x3c: {  	v10 =	vpop (erf)  }
0x3d: {  	[tilespmem:$0x3520] =	vst v10  }
0x3e: {  	[tilespmem:v11+s22+$0x0] =	vst.idx.msk $0xffff, v10  }
0x3f: {  	s26 =	simm.s32 $0xF8;
	v10 =	vld.idx.msk [tilespmem:v0+s23+$0x0], $0xffff  }
0x40: {  	v11 =	vld [tilespmem:s26+$0xFFFFFFB0]  }
0x41: {  	v59 =	vld.idx.msk [tilespmem:v3+s23+$0x0], $0xffff  }
0x42: {  	v13 =	vld [tilespmem:s26+$0x0];
	_ =	sdelay $0x3  }
0x43: {  	v10 =	vmul.f32 v11, v10  }
0x44: {  	s28 =	simm.s32 $0x1C78;
	v11 =	vmul.f32 v13, v59  }
0x45: {  	[tilespmem:s28+$0xFFFFFFB0] =	vst v10  }
0x46: {  	[tilespmem:s28+$0x0] =	vst v11  }
0x47: {  	v10 =	vld [tilespmem:s26+$0x10]  }
0x48: {  	v11 =	vld.idx.msk [tilespmem:v5+s23+$0x0], $0xffff  }
0x49: {  	v60 =	vld.idx.msk [tilespmem:v4+s23+$0x0], $0xffff  }
0x4a: {  	v61 =	vld [tilespmem:s26+$0xFFFFFFC0];
	_ =	sdelay $0x3  }
0x4b: {  	v10 =	vmul.f32 v10, v11  }
0x4c: {  	v11 =	vmul.f32 v61, v60  }
0x4d: {  	[tilespmem:s28+$0x10] =	vst v10  }
0x4e: {  	[tilespmem:s28+$0xFFFFFFC0] =	vst v11  }
0x4f: {  	v10 =	vld.idx.msk [tilespmem:v6+s23+$0x0], $0xffff  }
0x50: {  	v11 =	vld.idx.msk [tilespmem:v7+s23+$0x0], $0xffff  }
0x51: {  	v62 =	vld [tilespmem:s26+$0x20]  }
0x52: {  	v63 =	vld [tilespmem:s26+$0xFFFFFFD0];
	_ =	sdelay $0x3  }
0x53: {  	v11 =	vmul.f32 v62, v11  }
0x54: {  	v10 =	vmul.f32 v63, v10  }
0x55: {  	[tilespmem:s28+$0x20] =	vst v11  }
0x56: {  	s30 =	simm.s32 $0x2;
	s31 =	simm.s32 $0xF8;
	s29 =	simm.s32 $0x1C78;
	[tilespmem:s28+$0xFFFFFFD0] =	vst v10  }
.LBB2_5:
0x57: {  	p1 =	sne.s32 s30, $0x4E;
	v10 =	vld [tilespmem:s26+$0x30];
	s31 =	sadd.s32 $0xA0, s31;
	s28 =	sadd.s32 $0xA0, s28  }
0x58: {  	s0 =	smov.u32 s30;
	s30 =	sadd.s32 $0x2, s30;
	v11 =	vld.idx.msk [tilespmem:v9+s23+$0x0], $0xffff  }
0x59: {  	v12 =	vor.u32 s0, v0;
	v13 =	vld.idx.msk [tilespmem:v8+s23+$0x0], $0xffff  }
0x5a: {  	v14 =	vmul.u32 $0x50, v12;
	v12 =	vshll.u32 v12, $0x3;
	v15 =	vld [tilespmem:s26+$0xFFFFFFE0];
	s26 =	smov.u32 s31  }
0x5b: {  	v12 =	vor.u32 v2, v12  }
0x5c: {  	v14 =	vor.u32 v2, v14;
	_ =	sdelay $0x1  }
0x5d: {  	v10 =	vmul.f32 v10, v11  }
0x5e: {  	v11 =	vmul.f32 v15, v13  }
0x5f: {  	[tilespmem:s29+$0x30] =	vst v10  }
0x60: {  	[tilespmem:s29+$0xFFFFFFE0] =	vst v11;
	s29 =	smov.u32 s28  }
0x61: {  	v10 =	vld.idx.msk [tilespmem:v14+s18+$0x0], $0xffff  }
0x62: {  	v11 =	vld.idx.msk [tilespmem:v12+s19+$0x0], $0xffff;
	_ =	sdelay $0x5  }
0x63: {  	v10 =	vadd.f32 v11, v10;
	_ =	sdelay $0x1  }
0x64: {  	v11 =	vmul.f32 $2.000000030e-01, v10;
	_ =	sdelay $0x1  }
0x65: {  	v10 =	vmax.f32 v10, v11  }
0x66: {  	v10 =	vmul.f32 $1.442695020e+00, v10;
	_ =	sdelay $0x1  }
0x67: {  	(erf) = vpow2.f32 v10;
	_ =	sdelay $0x8  }
0x68: {  	v10 =	vpop (erf)  }
0x69: {  	[tilespmem:$0x3520] =	vst v10  }
0x6a: {  	[tilespmem:v14+s22+$0x0] =	vst.idx.msk $0xffff, v10  }
0x6b: {  	v10 =	vld.idx.msk [tilespmem:v0+s23+$0x0], $0xffff  }
0x6c: {  	v11 =	vld [tilespmem:s31+$0xFFFFFFB0]  }
0x6d: {  	v12 =	vld.idx.msk [tilespmem:v3+s23+$0x0], $0xffff  }
0x6e: {  	v13 =	vld [tilespmem:s31+$0x0];
	_ =	sdelay $0x2  }
0x6f: {  	v10 =	vmul.f32 v11, v10;
	_ =	sdelay $0x1  }
0x70: {  	[tilespmem:s28+$0xFFFFFFB0] =	vst v10;
	v10 =	vmul.f32 v13, v12;
	_ =	sdelay $0x1  }
0x71: {  	[tilespmem:s28+$0x0] =	vst v10  }
0x72: {  	v10 =	vld [tilespmem:s31+$0x10]  }
0x73: {  	v11 =	vld.idx.msk [tilespmem:v5+s23+$0x0], $0xffff  }
0x74: {  	v12 =	vld.idx.msk [tilespmem:v4+s23+$0x0], $0xffff  }
0x75: {  	v13 =	vld [tilespmem:s31+$0xFFFFFFC0];
	_ =	sdelay $0x3  }
0x76: {  	v10 =	vmul.f32 v10, v11  }
0x77: {  	v11 =	vmul.f32 v13, v12  }
0x78: {  	[tilespmem:s28+$0x10] =	vst v10  }
0x79: {  	[tilespmem:s28+$0xFFFFFFC0] =	vst v11  }
0x7a: {  	v10 =	vld.idx.msk [tilespmem:v6+s23+$0x0], $0xffff  }
0x7b: {  	v11 =	vld.idx.msk [tilespmem:v7+s23+$0x0], $0xffff  }
0x7c: {  	v12 =	vld [tilespmem:s31+$0x20]  }
0x7d: {  	v13 =	vld [tilespmem:s31+$0xFFFFFFD0];
	_ =	sdelay $0x2  }
.Ltmp1:
0x7e: {  	(pc) =	sbr.rel @p1 .LBB2_5-.Ltmp1, $4  }
0x7f: {  	v11 =	vmul.f32 v12, v11  }
0x80: {  	v10 =	vmul.f32 v13, v10  }
0x81: {  	[tilespmem:s28+$0x20] =	vst v11  }
0x82: {  	[tilespmem:s28+$0xFFFFFFD0] =	vst v10  }
0x83: {  	_ =	sdelay $0x2  }
0x84: {  	v10 =	vld [tilespmem:s26+$0x30]  }
0x85: {  	v11 =	vld.idx.msk [tilespmem:v9+s23+$0x0], $0xffff  }
0x86: {  	v12 =	vld.idx.msk [tilespmem:v8+s23+$0x0], $0xffff  }
0x87: {  	v13 =	vld [tilespmem:s26+$0xFFFFFFE0];
	_ =	sdelay $0x3  }
0x88: {  	v10 =	vmul.f32 v10, v11  }
0x89: {  	s25 =	sadd.s32 $0x1, s25;
	v11 =	vmul.f32 v13, v12  }
0x8a: {  	p1 =	sne.s32 s25, $0x7D;
	[tilespmem:s29+$0x30] =	vst v10  }
.Ltmp2:
0x8b: {  	[tilespmem:s29+$0xFFFFFFE0] =	vst v11;
	(pc) =	sbr.rel @p1 .LBB2_4-.Ltmp2, $4  }
0x8c: {  	[spmem:s1] =	stream.indirect.scatter.add.f32 [tilespmem:s22], [sflag:$0x3], $0x50, s17, s17, $0xb8;
	[tilespmem:$0xF880] =	vst v63  }
0x8d: {  	_ =	swait.ge [sflag:s15], $0x1900  }
0x8e: {  	[sflag:s15] =	ssyncset.done $0x0  }
0x8f: {  	[sflag:s15] =	ssyncadd.s32 $0xFFFFE700  }
0x90: {  	[bflag:$0x0] =	sbarrier.arrive $0xFFFF  }
0x91: {  	[hbm:s11], [sflag:s8] =	dma.local [spmem:s14], $0x1860  }
0x92: {  	s2 =	sadd.s32 $0x1, s2;
	_ =	swait.ge [sflag:s15], $0x1860  }
0x93: {  	p1 =	sne.s32 s2, s13;
	[sflag:s15] =	ssyncset.done $0x0  }
.Ltmp3:
0x94: {  	s0 =	simm.s32 @!p0 $0x3;
	[sflag:s15] =	ssyncadd.s32 $0xFFFFE7A0;
	(pc) =	sbr.rel @p1 .LBB2_1-.Ltmp3, $4  }
0x95: {  	[hbm:s12], [sflag:s8] =	dma.local @!p0 [spmem:s16], $0xA0  }
0x96: {  	_ =	swait.ge @!p0 [sflag:s0], $0xA0  }
0x97: {  	[sflag:s0] =	ssyncset.done @!p0 $0x0  }
0x98: {  	[sflag:s0] =	ssyncadd.s32 @!p0 $0xFFFFFF60  }
0x99: {  	_ =	sfence.sel $0x180000  }
0x9a: {  	[bflag:$0x0] =	sbarrier.arrive $0xFFFF  }
0x9b: {  	_ =	strace $0x90000047  }
0x9c: {  	[bflag:$0x2] =	sbarrier.arrive $0xFFFF  }
0x9d: {  	s0 =	rddreg [dreg:$0x2]  }
0x9e: {  	s0 =	sadd.s32 @!p0 $0x100000, s0  }
0x9f: {  	[sflag:s0] =	ssyncadd.tile.s32 @!p0 $0x1;
	_ =	shalt  }
.Lfunc_end2:
_tile_overlayer_lowered:
.L_overlay_start_2:
0xa0: {  	(tag) =	ssettag $0x2  }
0xa1: {  	s0 =	rddreg [dreg:$0x0];
	s2 =	stileid.u32  }
0xa2: {  	s1 =	rddreg [dreg:$0x1];
	p0 =	sne.s32 s2, $0x0  }
0xa3: {  	s3 =	rddreg [dreg:$0x2];
	[bflag:$0x3] =	sbarrier.arrive $0xFFFF;
	s2 =	simm.s32 @!p0 $0x1C03  }
0xa4: {  	[timem:s3], [sflag:s2] =	dma.local @!p0 [hbm:s0], s1  }
0xa5: {  	s0 =	simm.s32 @!p0 $0x3  }
0xa6: {  	_ =	swait.ge @!p0 [sflag:s0], s1  }
0xa7: {  	s1 =	ssub.s32 @!p0 $0x0, s1;
	[sflag:s0] =	ssyncset.done @!p0 $0x0  }
0xa8: {  	[sflag:s0] =	ssyncadd.s32 @!p0 s1  }
0xa9: {  	[bflag:$0x3] =	sbarrier.arrive $0xFFFF  }
0xaa: {  	_ =	shalt  }

</sc_bundles>
